<compile_context>
chip_gen: v7x
topology: tpu7x:2x2x1
jax: 0.10.2.dev20260603
libtpu: 0.0.44.dev20260713+nightly
codegen_flags: <defaults>
</compile_context>

<pallas_src>
import functools
import jax
import jax.numpy as jnp
from jax import lax
from jax.experimental import pallas as pl
from jax.experimental.pallas import tpu as pltpu
from jax.experimental.pallas import tpu_sc as plsc

_N, _E, _D = 4096, 8, 768
_BB = 512
_NC, _NS, _L = 2, 16, 16
_NW = _NC * _NS
_VPW = _N * _E // _NW


def _gate_of(xv):
    t = xv * 2.0
    t2 = t * t
    return 1.0 / (1.0 + t2 * t2)



def _sc_gate_body(x_hbm, gate_hbm, x_v, g_v):
    wid = lax.axis_index("s") * _NC + lax.axis_index("c")
    base = wid * _VPW
    pltpu.sync_copy(x_hbm.at[pl.ds(base, _VPW)], x_v)
    for i in range(_VPW // _L):
        g_v[pl.ds(i * _L, _L)] = _gate_of(x_v[pl.ds(i * _L, _L)])
    pltpu.sync_copy(g_v, gate_hbm.at[pl.ds(base, _VPW)])


def _sc_gate(x_flat):
    run = pl.kernel(
        _sc_gate_body,
        out_type=jax.ShapeDtypeStruct((_N * _E,), jnp.float32),
        mesh=plsc.VectorSubcoreMesh(core_axis_name="c", subcore_axis_name="s"),
        scratch_types=[
            pltpu.VMEM((_VPW,), jnp.float32),
            pltpu.VMEM((_VPW,), jnp.float32),
        ],
    )
    return run(x_flat)



def _tc_body(x_ref, act_ref, disp_ref):
    gate = _gate_of(x_ref[...])
    gm = jnp.where(gate >= 0.5, gate, 0.0)
    a = act_ref[...]
    disp_ref[...] = gm[:, :, None] * a[:, None, :]


def _tc_disp(x, act):
    return pl.pallas_call(
        _tc_body,
        grid=(_N // _BB,),
        in_specs=[
            pl.BlockSpec((_BB, _E), lambda i: (i, 0)),
            pl.BlockSpec((_BB, _D), lambda i: (i, 0)),
        ],
        out_specs=pl.BlockSpec((_BB, _E, _D), lambda i: (i, 0, 0)),
        out_shape=jax.ShapeDtypeStruct((_N, _E, _D), jnp.float32),
    )(x, act)


def kernel(x, act, batch_inds):
    disp = _tc_disp(x, act)
    gate = _sc_gate(x.reshape(_N * _E)).reshape(_N, _E)
    return gate, disp

# --- scband reference (transcript-rebuilt; emitter-appended) ---
"""Pipeline reference for scband-decision-gate-74062416052252 (READ-ONLY COPY).

The authoritative reference and input builder live on the scoring server;
editing this copy changes nothing except your own understanding.
"""

import jax, jax.numpy as jnp
import numpy as np

A = 0.5
B_EXP = 2.0
THRES = 0.5


def soft_gate(x, a, b):
    return 1.0 / (1.0 + jnp.abs(x / a) ** (2 * b))


def setup_inputs(seed: int = 0) -> dict:
    key = jax.random.key(seed)
    k1, k2 = jax.random.split(key)
    x = jax.random.normal(k1, (4096, 8), dtype=jnp.float32)
    act = jax.random.normal(k2, (4096, 768), dtype=jnp.float32)
    batch_inds = jnp.arange(4096, dtype=jnp.int32)
    return {"x": x, "act": act, "batch_inds": batch_inds}


def reference(x, act, batch_inds):
    # Faithful translation of DecisionGate.forward.
    # The torch module builds a python dict {expert -> (list of weighted act rows, list of batch ids)}
    # selected by the thresholded soft gate. In jax we express the identical math as a dense
    # dispatch tensor: dispatched[b, p, :] = act[b] * gate[b, p] when gate[b, p] >= thres, else 0.
    # batch_inds is a pure index passthrough (no compute) and is closed over untouched.
    gate = soft_gate(x, A, B_EXP)
    mask = (gate >= THRES).astype(gate.dtype)
    dispatched = (gate * mask)[:, :, None] * act[:, None, :]
    return gate, dispatched

if __name__ == "__main__":
    import jax
    _d = setup_inputs()
    print(jax.jit(kernel)(*tuple(_d.values())))

</pallas_src>

<mosaic_0001>
#map = affine_map<(d0, d1) -> (0)>
module attributes {stable_mosaic.version = 14 : i64} {
  func.func @_sc_gate_body(%arg0: i32, %arg1: i32, %arg2: memref<32768xf32, #tpu.memory_space<hbm>>, %arg3: memref<32768xf32, #tpu.memory_space<hbm>>, %arg4: memref<1024xf32, #tpu.memory_space<vmem>>, %arg5: memref<1024xf32, #tpu.memory_space<vmem>>) attributes {dimension_semantics = [#tpu.dimension_semantics<core_parallel>, #tpu.dimension_semantics<subcore_parallel>], iteration_bounds = array<i64: 2, 16>, scalar_prefetch = 0 : i64, scratch_operands = 2 : i64, tpu.core_type = #tpu.core_type<sc_vector_subcore>, window_params = [{transform_indices = #map}, {transform_indices = #map}]} {
    %mul3A = arith.constant 2 : i32
    %mul3A_0 = arith.muli %arg1, %mul3A : i32
    %add3A = arith.addi %mul3A_0, %arg0 : i32
    %mul3A_1 = arith.constant 1024 : i32
    %mul3A_2 = arith.muli %add3A, %mul3A_1 : i32
    "tpu.region"() ({
      %run_scoped3A = tpu.sem_alloc : memref<!tpu.dma_semaphore, #tpu.memory_space<semaphore_mem>>
      %dma_start3A = tpu.memref_slice %arg2[%mul3A_2] : memref<32768xf32, #tpu.memory_space<hbm>> -> memref<1024xf32, #tpu.memory_space<hbm>>
      %dma_start3A_1152 = tpu.memref_slice %arg2[%mul3A_2] : memref<32768xf32, #tpu.memory_space<hbm>> -> memref<1024xf32, #tpu.memory_space<hbm>>
      tpu.enqueue_dma source(%dma_start3A_1152 : memref<1024xf32, #tpu.memory_space<hbm>>) target(%arg4 : memref<1024xf32, #tpu.memory_space<vmem>>) target_semaphore(%run_scoped3A : memref<!tpu.dma_semaphore, #tpu.memory_space<semaphore_mem>>)
      %dma_wait3A = tpu.memref_slice %arg2[%mul3A_2] : memref<32768xf32, #tpu.memory_space<hbm>> -> memref<1024xf32, #tpu.memory_space<hbm>>
      %dma_wait3A_1153 = tpu.memref_slice %arg2[%mul3A_2] : memref<32768xf32, #tpu.memory_space<hbm>> -> memref<1024xf32, #tpu.memory_space<hbm>>
      tpu.wait_dma2 semaphore(%run_scoped3A : memref<!tpu.dma_semaphore, #tpu.memory_space<semaphore_mem>>) src(%dma_wait3A_1153 : memref<1024xf32, #tpu.memory_space<hbm>>) dst(%arg4 : memref<1024xf32, #tpu.memory_space<vmem>>)
      tpu.yield
    }) : () -> ()
    %get3A = arith.constant 0 : index
    %get3A_3 = tpu.vector_load %arg4[%get3A] {strides = array<i32>} : memref<1024xf32, #tpu.memory_space<vmem>>, vector<16xf32>,
    %get3A_4 = vector.shape_cast %get3A_3 : vector<16xf32> to vector<16xf32>
    %mul3A_5 = arith.constant 2.000000e+00 : f32
    %mul3A_6 = vector.broadcast %mul3A_5 : f32 to vector<16xf32>
    %mul3A_7 = arith.mulf %get3A_4, %mul3A_6 : vector<16xf32>
    %mul3A_8 = arith.mulf %mul3A_7, %mul3A_7 : vector<16xf32>
    %mul3A_9 = arith.mulf %mul3A_8, %mul3A_8 : vector<16xf32>
    %add3A_10 = arith.constant 1.000000e+00 : f32
    %add3A_11 = vector.broadcast %add3A_10 : f32 to vector<16xf32>
    %add3A_12 = arith.addf %add3A_11, %mul3A_9 : vector<16xf32>
    %div3A = arith.constant 1.000000e+00 : f32
    %div3A_13 = vector.broadcast %div3A : f32 to vector<16xf32>
    %div3A_14 = arith.divf %div3A_13, %add3A_12 : vector<16xf32>
    %swap3A = arith.constant 0 : index
    %swap3A_15 = tpu.vector_load %arg5[%swap3A] {strides = array<i32>} : memref<1024xf32, #tpu.memory_space<vmem>>, vector<16xf32>,
    %swap3A_16 = vector.shape_cast %swap3A_15 : vector<16xf32> to vector<16xf32>
    %swap3A_17 = vector.shape_cast %div3A_14 : vector<16xf32> to vector<16xf32>
    tpu.vector_store %arg5[%swap3A], %swap3A_17 {strides = array<i32>} : memref<1024xf32, #tpu.memory_space<vmem>>, vector<16xf32>,
    %get3A_18 = arith.constant 16 : index
    %get3A_19 = tpu.vector_load %arg4[%get3A_18] {strides = array<i32>} : memref<1024xf32, #tpu.memory_space<vmem>>, vector<16xf32>,
    %get3A_20 = vector.shape_cast %get3A_19 : vector<16xf32> to vector<16xf32>
    %mul3A_21 = arith.constant 2.000000e+00 : f32
    %mul3A_22 = vector.broadcast %mul3A_21 : f32 to vector<16xf32>
    %mul3A_23 = arith.mulf %get3A_20, %mul3A_22 : vector<16xf32>
    %mul3A_24 = arith.mulf %mul3A_23, %mul3A_23 : vector<16xf32>
    %mul3A_25 = arith.mulf %mul3A_24, %mul3A_24 : vector<16xf32>
    %add3A_26 = arith.constant 1.000000e+00 : f32
    %add3A_27 = vector.broadcast %add3A_26 : f32 to vector<16xf32>
    %add3A_28 = arith.addf %add3A_27, %mul3A_25 : vector<16xf32>
    %div3A_29 = arith.constant 1.000000e+00 : f32
    %div3A_30 = vector.broadcast %div3A_29 : f32 to vector<16xf32>
    %div3A_31 = arith.divf %div3A_30, %add3A_28 : vector<16xf32>
    %swap3A_32 = arith.constant 16 : index
    %swap3A_33 = tpu.vector_load %arg5[%swap3A_32] {strides = array<i32>} : memref<1024xf32, #tpu.memory_space<vmem>>, vector<16xf32>,
    %swap3A_34 = vector.shape_cast %swap3A_33 : vector<16xf32> to vector<16xf32>
    %swap3A_35 = vector.shape_cast %div3A_31 : vector<16xf32> to vector<16xf32>
    tpu.vector_store %arg5[%swap3A_32], %swap3A_35 {strides = array<i32>} : memref<1024xf32, #tpu.memory_space<vmem>>, vector<16xf32>,
    %get3A_36 = arith.constant 32 : index
    %get3A_37 = tpu.vector_load %arg4[%get3A_36] {strides = array<i32>} : memref<1024xf32, #tpu.memory_space<vmem>>, vector<16xf32>,
    %get3A_38 = vector.shape_cast %get3A_37 : vector<16xf32> to vector<16xf32>
    %mul3A_39 = arith.constant 2.000000e+00 : f32
    %mul3A_40 = vector.broadcast %mul3A_39 : f32 to vector<16xf32>
    %mul3A_41 = arith.mulf %get3A_38, %mul3A_40 : vector<16xf32>
    %mul3A_42 = arith.mulf %mul3A_41, %mul3A_41 : vector<16xf32>
    %mul3A_43 = arith.mulf %mul3A_42, %mul3A_42 : vector<16xf32>
    %add3A_44 = arith.constant 1.000000e+00 : f32
    %add3A_45 = vector.broadcast %add3A_44 : f32 to vector<16xf32>
    %add3A_46 = arith.addf %add3A_45, %mul3A_43 : vector<16xf32>
    %div3A_47 = arith.constant 1.000000e+00 : f32
    %div3A_48 = vector.broadcast %div3A_47 : f32 to vector<16xf32>
    %div3A_49 = arith.divf %div3A_48, %add3A_46 : vector<16xf32>
    %swap3A_50 = arith.constant 32 : index
    %swap3A_51 = tpu.vector_load %arg5[%swap3A_50] {strides = array<i32>} : memref<1024xf32, #tpu.memory_space<vmem>>, vector<16xf32>,
    %swap3A_52 = vector.shape_cast %swap3A_51 : vector<16xf32> to vector<16xf32>
    %swap3A_53 = vector.shape_cast %div3A_49 : vector<16xf32> to vector<16xf32>
    tpu.vector_store %arg5[%swap3A_50], %swap3A_53 {strides = array<i32>} : memref<1024xf32, #tpu.memory_space<vmem>>, vector<16xf32>,
    %get3A_54 = arith.constant 48 : index
    %get3A_55 = tpu.vector_load %arg4[%get3A_54] {strides = array<i32>} : memref<1024xf32, #tpu.memory_space<vmem>>, vector<16xf32>,
    %get3A_56 = vector.shape_cast %get3A_55 : vector<16xf32> to vector<16xf32>
    %mul3A_57 = arith.constant 2.000000e+00 : f32
    %mul3A_58 = vector.broadcast %mul3A_57 : f32 to vector<16xf32>
    %mul3A_59 = arith.mulf %get3A_56, %mul3A_58 : vector<16xf32>
    %mul3A_60 = arith.mulf %mul3A_59, %mul3A_59 : vector<16xf32>
    %mul3A_61 = arith.mulf %mul3A_60, %mul3A_60 : vector<16xf32>
    %add3A_62 = arith.constant 1.000000e+00 : f32
    %add3A_63 = vector.broadcast %add3A_62 : f32 to vector<16xf32>
    %add3A_64 = arith.addf %add3A_63, %mul3A_61 : vector<16xf32>
    %div3A_65 = arith.constant 1.000000e+00 : f32
    %div3A_66 = vector.broadcast %div3A_65 : f32 to vector<16xf32>
    %div3A_67 = arith.divf %div3A_66, %add3A_64 : vector<16xf32>
    %swap3A_68 = arith.constant 48 : index
    %swap3A_69 = tpu.vector_load %arg5[%swap3A_68] {strides = array<i32>} : memref<1024xf32, #tpu.memory_space<vmem>>, vector<16xf32>,
    %swap3A_70 = vector.shape_cast %swap3A_69 : vector<16xf32> to vector<16xf32>
    %swap3A_71 = vector.shape_cast %div3A_67 : vector<16xf32> to vector<16xf32>
    tpu.vector_store %arg5[%swap3A_68], %swap3A_71 {strides = array<i32>} : memref<1024xf32, #tpu.memory_space<vmem>>, vector<16xf32>,
    %get3A_72 = arith.constant 64 : index
    %get3A_73 = tpu.vector_load %arg4[%get3A_72] {strides = array<i32>} : memref<1024xf32, #tpu.memory_space<vmem>>, vector<16xf32>,
    %get3A_74 = vector.shape_cast %get3A_73 : vector<16xf32> to vector<16xf32>
    %mul3A_75 = arith.constant 2.000000e+00 : f32
    %mul3A_76 = vector.broadcast %mul3A_75 : f32 to vector<16xf32>
    %mul3A_77 = arith.mulf %get3A_74, %mul3A_76 : vector<16xf32>
    %mul3A_78 = arith.mulf %mul3A_77, %mul3A_77 : vector<16xf32>
    %mul3A_79 = arith.mulf %mul3A_78, %mul3A_78 : vector<16xf32>
    %add3A_80 = arith.constant 1.000000e+00 : f32
    %add3A_81 = vector.broadcast %add3A_80 : f32 to vector<16xf32>
    %add3A_82 = arith.addf %add3A_81, %mul3A_79 : vector<16xf32>
    %div3A_83 = arith.constant 1.000000e+00 : f32
    %div3A_84 = vector.broadcast %div3A_83 : f32 to vector<16xf32>
    %div3A_85 = arith.divf %div3A_84, %add3A_82 : vector<16xf32>
    %swap3A_86 = arith.constant 64 : index
    %swap3A_87 = tpu.vector_load %arg5[%swap3A_86] {strides = array<i32>} : memref<1024xf32, #tpu.memory_space<vmem>>, vector<16xf32>,
    %swap3A_88 = vector.shape_cast %swap3A_87 : vector<16xf32> to vector<16xf32>
    %swap3A_89 = vector.shape_cast %div3A_85 : vector<16xf32> to vector<16xf32>
    tpu.vector_store %arg5[%swap3A_86], %swap3A_89 {strides = array<i32>} : memref<1024xf32, #tpu.memory_space<vmem>>, vector<16xf32>,
    %get3A_90 = arith.constant 80 : index
    %get3A_91 = tpu.vector_load %arg4[%get3A_90] {strides = array<i32>} : memref<1024xf32, #tpu.memory_space<vmem>>, vector<16xf32>,
    %get3A_92 = vector.shape_cast %get3A_91 : vector<16xf32> to vector<16xf32>
    %mul3A_93 = arith.constant 2.000000e+00 : f32
    %mul3A_94 = vector.broadcast %mul3A_93 : f32 to vector<16xf32>
    %mul3A_95 = arith.mulf %get3A_92, %mul3A_94 : vector<16xf32>
    %mul3A_96 = arith.mulf %mul3A_95, %mul3A_95 : vector<16xf32>
    %mul3A_97 = arith.mulf %mul3A_96, %mul3A_96 : vector<16xf32>
    %add3A_98 = arith.constant 1.000000e+00 : f32
    %add3A_99 = vector.broadcast %add3A_98 : f32 to vector<16xf32>
    %add3A_100 = arith.addf %add3A_99, %mul3A_97 : vector<16xf32>
    %div3A_101 = arith.constant 1.000000e+00 : f32
    %div3A_102 = vector.broadcast %div3A_101 : f32 to vector<16xf32>
    %div3A_103 = arith.divf %div3A_102, %add3A_100 : vector<16xf32>
    %swap3A_104 = arith.constant 80 : index
    %swap3A_105 = tpu.vector_load %arg5[%swap3A_104] {strides = array<i32>} : memref<1024xf32, #tpu.memory_space<vmem>>, vector<16xf32>,
    %swap3A_106 = vector.shape_cast %swap3A_105 : vector<16xf32> to vector<16xf32>
    %swap3A_107 = vector.shape_cast %div3A_103 : vector<16xf32> to vector<16xf32>
    tpu.vector_store %arg5[%swap3A_104], %swap3A_107 {strides = array<i32>} : memref<1024xf32, #tpu.memory_space<vmem>>, vector<16xf32>,
    %get3A_108 = arith.constant 96 : index
    %get3A_109 = tpu.vector_load %arg4[%get3A_108] {strides = array<i32>} : memref<1024xf32, #tpu.memory_space<vmem>>, vector<16xf32>,
    %get3A_110 = vector.shape_cast %get3A_109 : vector<16xf32> to vector<16xf32>
    %mul3A_111 = arith.constant 2.000000e+00 : f32
    %mul3A_112 = vector.broadcast %mul3A_111 : f32 to vector<16xf32>
    %mul3A_113 = arith.mulf %get3A_110, %mul3A_112 : vector<16xf32>
    %mul3A_114 = arith.mulf %mul3A_113, %mul3A_113 : vector<16xf32>
    %mul3A_115 = arith.mulf %mul3A_114, %mul3A_114 : vector<16xf32>
    %add3A_116 = arith.constant 1.000000e+00 : f32
    %add3A_117 = vector.broadcast %add3A_116 : f32 to vector<16xf32>
    %add3A_118 = arith.addf %add3A_117, %mul3A_115 : vector<16xf32>
    %div3A_119 = arith.constant 1.000000e+00 : f32
    %div3A_120 = vector.broadcast %div3A_119 : f32 to vector<16xf32>
    %div3A_121 = arith.divf %div3A_120, %add3A_118 : vector<16xf32>
    %swap3A_122 = arith.constant 96 : index
    %swap3A_123 = tpu.vector_load %arg5[%swap3A_122] {strides = array<i32>} : memref<1024xf32, #tpu.memory_space<vmem>>, vector<16xf32>,
    %swap3A_124 = vector.shape_cast %swap3A_123 : vector<16xf32> to vector<16xf32>
    %swap3A_125 = vector.shape_cast %div3A_121 : vector<16xf32> to vector<16xf32>
    tpu.vector_store %arg5[%swap3A_122], %swap3A_125 {strides = array<i32>} : memref<1024xf32, #tpu.memory_space<vmem>>, vector<16xf32>,
    %get3A_126 = arith.constant 112 : index
    %get3A_127 = tpu.vector_load %arg4[%get3A_126] {strides = array<i32>} : memref<1024xf32, #tpu.memory_space<vmem>>, vector<16xf32>,
    %get3A_128 = vector.shape_cast %get3A_127 : vector<16xf32> to vector<16xf32>
    %mul3A_129 = arith.constant 2.000000e+00 : f32
    %mul3A_130 = vector.broadcast %mul3A_129 : f32 to vector<16xf32>
    %mul3A_131 = arith.mulf %get3A_128, %mul3A_130 : vector<16xf32>
    %mul3A_132 = arith.mulf %mul3A_131, %mul3A_131 : vector<16xf32>
    %mul3A_133 = arith.mulf %mul3A_132, %mul3A_132 : vector<16xf32>
    %add3A_134 = arith.constant 1.000000e+00 : f32
    %add3A_135 = vector.broadcast %add3A_134 : f32 to vector<16xf32>
    %add3A_136 = arith.addf %add3A_135, %mul3A_133 : vector<16xf32>
    %div3A_137 = arith.constant 1.000000e+00 : f32
    %div3A_138 = vector.broadcast %div3A_137 : f32 to vector<16xf32>
    %div3A_139 = arith.divf %div3A_138, %add3A_136 : vector<16xf32>
    %swap3A_140 = arith.constant 112 : index
    %swap3A_141 = tpu.vector_load %arg5[%swap3A_140] {strides = array<i32>} : memref<1024xf32, #tpu.memory_space<vmem>>, vector<16xf32>,
    %swap3A_142 = vector.shape_cast %swap3A_141 : vector<16xf32> to vector<16xf32>
    %swap3A_143 = vector.shape_cast %div3A_139 : vector<16xf32> to vector<16xf32>
    tpu.vector_store %arg5[%swap3A_140], %swap3A_143 {strides = array<i32>} : memref<1024xf32, #tpu.memory_space<vmem>>, vector<16xf32>,
    %get3A_144 = arith.constant 128 : index
    %get3A_145 = tpu.vector_load %arg4[%get3A_144] {strides = array<i32>} : memref<1024xf32, #tpu.memory_space<vmem>>, vector<16xf32>,
    %get3A_146 = vector.shape_cast %get3A_145 : vector<16xf32> to vector<16xf32>
    %mul3A_147 = arith.constant 2.000000e+00 : f32
    %mul3A_148 = vector.broadcast %mul3A_147 : f32 to vector<16xf32>
    %mul3A_149 = arith.mulf %get3A_146, %mul3A_148 : vector<16xf32>
    %mul3A_150 = arith.mulf %mul3A_149, %mul3A_149 : vector<16xf32>
    %mul3A_151 = arith.mulf %mul3A_150, %mul3A_150 : vector<16xf32>
    %add3A_152 = arith.constant 1.000000e+00 : f32
    %add3A_153 = vector.broadcast %add3A_152 : f32 to vector<16xf32>
    %add3A_154 = arith.addf %add3A_153, %mul3A_151 : vector<16xf32>
    %div3A_155 = arith.constant 1.000000e+00 : f32
    %div3A_156 = vector.broadcast %div3A_155 : f32 to vector<16xf32>
    %div3A_157 = arith.divf %div3A_156, %add3A_154 : vector<16xf32>
    %swap3A_158 = arith.constant 128 : index
    %swap3A_159 = tpu.vector_load %arg5[%swap3A_158] {strides = array<i32>} : memref<1024xf32, #tpu.memory_space<vmem>>, vector<16xf32>,
    %swap3A_160 = vector.shape_cast %swap3A_159 : vector<16xf32> to vector<16xf32>
    %swap3A_161 = vector.shape_cast %div3A_157 : vector<16xf32> to vector<16xf32>
    tpu.vector_store %arg5[%swap3A_158], %swap3A_161 {strides = array<i32>} : memref<1024xf32, #tpu.memory_space<vmem>>, vector<16xf32>,
    %get3A_162 = arith.constant 144 : index
    %get3A_163 = tpu.vector_load %arg4[%get3A_162] {strides = array<i32>} : memref<1024xf32, #tpu.memory_space<vmem>>, vector<16xf32>,
    %get3A_164 = vector.shape_cast %get3A_163 : vector<16xf32> to vector<16xf32>
    %mul3A_165 = arith.constant 2.000000e+00 : f32
    %mul3A_166 = vector.broadcast %mul3A_165 : f32 to vector<16xf32>
    %mul3A_167 = arith.mulf %get3A_164, %mul3A_166 : vector<16xf32>
    %mul3A_168 = arith.mulf %mul3A_167, %mul3A_167 : vector<16xf32>
    %mul3A_169 = arith.mulf %mul3A_168, %mul3A_168 : vector<16xf32>
    %add3A_170 = arith.constant 1.000000e+00 : f32
    %add3A_171 = vector.broadcast %add3A_170 : f32 to vector<16xf32>
    %add3A_172 = arith.addf %add3A_171, %mul3A_169 : vector<16xf32>
    %div3A_173 = arith.constant 1.000000e+00 : f32
    %div3A_174 = vector.broadcast %div3A_173 : f32 to vector<16xf32>
    %div3A_175 = arith.divf %div3A_174, %add3A_172 : vector<16xf32>
    %swap3A_176 = arith.constant 144 : index
    %swap3A_177 = tpu.vector_load %arg5[%swap3A_176] {strides = array<i32>} : memref<1024xf32, #tpu.memory_space<vmem>>, vector<16xf32>,
    %swap3A_178 = vector.shape_cast %swap3A_177 : vector<16xf32> to vector<16xf32>
    %swap3A_179 = vector.shape_cast %div3A_175 : vector<16xf32> to vector<16xf32>
    tpu.vector_store %arg5[%swap3A_176], %swap3A_179 {strides = array<i32>} : memref<1024xf32, #tpu.memory_space<vmem>>, vector<16xf32>,
    %get3A_180 = arith.constant 160 : index
    %get3A_181 = tpu.vector_load %arg4[%get3A_180] {strides = array<i32>} : memref<1024xf32, #tpu.memory_space<vmem>>, vector<16xf32>,
    %get3A_182 = vector.shape_cast %get3A_181 : vector<16xf32> to vector<16xf32>
    %mul3A_183 = arith.constant 2.000000e+00 : f32
    %mul3A_184 = vector.broadcast %mul3A_183 : f32 to vector<16xf32>
    %mul3A_185 = arith.mulf %get3A_182, %mul3A_184 : vector<16xf32>
    %mul3A_186 = arith.mulf %mul3A_185, %mul3A_185 : vector<16xf32>
    %mul3A_187 = arith.mulf %mul3A_186, %mul3A_186 : vector<16xf32>
    %add3A_188 = arith.constant 1.000000e+00 : f32
    %add3A_189 = vector.broadcast %add3A_188 : f32 to vector<16xf32>
    %add3A_190 = arith.addf %add3A_189, %mul3A_187 : vector<16xf32>
    %div3A_191 = arith.constant 1.000000e+00 : f32
    %div3A_192 = vector.broadcast %div3A_191 : f32 to vector<16xf32>
    %div3A_193 = arith.divf %div3A_192, %add3A_190 : vector<16xf32>
    %swap3A_194 = arith.constant 160 : index
    %swap3A_195 = tpu.vector_load %arg5[%swap3A_194] {strides = array<i32>} : memref<1024xf32, #tpu.memory_space<vmem>>, vector<16xf32>,
    %swap3A_196 = vector.shape_cast %swap3A_195 : vector<16xf32> to vector<16xf32>
    %swap3A_197 = vector.shape_cast %div3A_193 : vector<16xf32> to vector<16xf32>
    tpu.vector_store %arg5[%swap3A_194], %swap3A_197 {strides = array<i32>} : memref<1024xf32, #tpu.memory_space<vmem>>, vector<16xf32>,
    %get3A_198 = arith.constant 176 : index
    %get3A_199 = tpu.vector_load %arg4[%get3A_198] {strides = array<i32>} : memref<1024xf32, #tpu.memory_space<vmem>>, vector<16xf32>,
    %get3A_200 = vector.shape_cast %get3A_199 : vector<16xf32> to vector<16xf32>
    %mul3A_201 = arith.constant 2.000000e+00 : f32
    %mul3A_202 = vector.broadcast %mul3A_201 : f32 to vector<16xf32>
    %mul3A_203 = arith.mulf %get3A_200, %mul3A_202 : vector<16xf32>
    %mul3A_204 = arith.mulf %mul3A_203, %mul3A_203 : vector<16xf32>
    %mul3A_205 = arith.mulf %mul3A_204, %mul3A_204 : vector<16xf32>
    %add3A_206 = arith.constant 1.000000e+00 : f32
    %add3A_207 = vector.broadcast %add3A_206 : f32 to vector<16xf32>
    %add3A_208 = arith.addf %add3A_207, %mul3A_205 : vector<16xf32>
    %div3A_209 = arith.constant 1.000000e+00 : f32
    %div3A_210 = vector.broadcast %div3A_209 : f32 to vector<16xf32>
    %div3A_211 = arith.divf %div3A_210, %add3A_208 : vector<16xf32>
    %swap3A_212 = arith.constant 176 : index
    %swap3A_213 = tpu.vector_load %arg5[%swap3A_212] {strides = array<i32>} : memref<1024xf32, #tpu.memory_space<vmem>>, vector<16xf32>,
    %swap3A_214 = vector.shape_cast %swap3A_213 : vector<16xf32> to vector<16xf32>
    %swap3A_215 = vector.shape_cast %div3A_211 : vector<16xf32> to vector<16xf32>
    tpu.vector_store %arg5[%swap3A_212], %swap3A_215 {strides = array<i32>} : memref<1024xf32, #tpu.memory_space<vmem>>, vector<16xf32>,
    %get3A_216 = arith.constant 192 : index
    %get3A_217 = tpu.vector_load %arg4[%get3A_216] {strides = array<i32>} : memref<1024xf32, #tpu.memory_space<vmem>>, vector<16xf32>,
    %get3A_218 = vector.shape_cast %get3A_217 : vector<16xf32> to vector<16xf32>
    %mul3A_219 = arith.constant 2.000000e+00 : f32
    %mul3A_220 = vector.broadcast %mul3A_219 : f32 to vector<16xf32>
    %mul3A_221 = arith.mulf %get3A_218, %mul3A_220 : vector<16xf32>
    %mul3A_222 = arith.mulf %mul3A_221, %mul3A_221 : vector<16xf32>
    %mul3A_223 = arith.mulf %mul3A_222, %mul3A_222 : vector<16xf32>
    %add3A_224 = arith.constant 1.000000e+00 : f32
    %add3A_225 = vector.broadcast %add3A_224 : f32 to vector<16xf32>
    %add3A_226 = arith.addf %add3A_225, %mul3A_223 : vector<16xf32>
    %div3A_227 = arith.constant 1.000000e+00 : f32
    %div3A_228 = vector.broadcast %div3A_227 : f32 to vector<16xf32>
    %div3A_229 = arith.divf %div3A_228, %add3A_226 : vector<16xf32>
    %swap3A_230 = arith.constant 192 : index
    %swap3A_231 = tpu.vector_load %arg5[%swap3A_230] {strides = array<i32>} : memref<1024xf32, #tpu.memory_space<vmem>>, vector<16xf32>,
    %swap3A_232 = vector.shape_cast %swap3A_231 : vector<16xf32> to vector<16xf32>
    %swap3A_233 = vector.shape_cast %div3A_229 : vector<16xf32> to vector<16xf32>
    tpu.vector_store %arg5[%swap3A_230], %swap3A_233 {strides = array<i32>} : memref<1024xf32, #tpu.memory_space<vmem>>, vector<16xf32>,
    %get3A_234 = arith.constant 208 : index
    %get3A_235 = tpu.vector_load %arg4[%get3A_234] {strides = array<i32>} : memref<1024xf32, #tpu.memory_space<vmem>>, vector<16xf32>,
    %get3A_236 = vector.shape_cast %get3A_235 : vector<16xf32> to vector<16xf32>
    %mul3A_237 = arith.constant 2.000000e+00 : f32
    %mul3A_238 = vector.broadcast %mul3A_237 : f32 to vector<16xf32>
    %mul3A_239 = arith.mulf %get3A_236, %mul3A_238 : vector<16xf32>
    %mul3A_240 = arith.mulf %mul3A_239, %mul3A_239 : vector<16xf32>
    %mul3A_241 = arith.mulf %mul3A_240, %mul3A_240 : vector<16xf32>
    %add3A_242 = arith.constant 1.000000e+00 : f32
    %add3A_243 = vector.broadcast %add3A_242 : f32 to vector<16xf32>
    %add3A_244 = arith.addf %add3A_243, %mul3A_241 : vector<16xf32>
    %div3A_245 = arith.constant 1.000000e+00 : f32
    %div3A_246 = vector.broadcast %div3A_245 : f32 to vector<16xf32>
    %div3A_247 = arith.divf %div3A_246, %add3A_244 : vector<16xf32>
    %swap3A_248 = arith.constant 208 : index
    %swap3A_249 = tpu.vector_load %arg5[%swap3A_248] {strides = array<i32>} : memref<1024xf32, #tpu.memory_space<vmem>>, vector<16xf32>,
    %swap3A_250 = vector.shape_cast %swap3A_249 : vector<16xf32> to vector<16xf32>
    %swap3A_251 = vector.shape_cast %div3A_247 : vector<16xf32> to vector<16xf32>
    tpu.vector_store %arg5[%swap3A_248], %swap3A_251 {strides = array<i32>} : memref<1024xf32, #tpu.memory_space<vmem>>, vector<16xf32>,
    %get3A_252 = arith.constant 224 : index
    %get3A_253 = tpu.vector_load %arg4[%get3A_252] {strides = array<i32>} : memref<1024xf32, #tpu.memory_space<vmem>>, vector<16xf32>,
    %get3A_254 = vector.shape_cast %get3A_253 : vector<16xf32> to vector<16xf32>
    %mul3A_255 = arith.constant 2.000000e+00 : f32
    %mul3A_256 = vector.broadcast %mul3A_255 : f32 to vector<16xf32>
    %mul3A_257 = arith.mulf %get3A_254, %mul3A_256 : vector<16xf32>
    %mul3A_258 = arith.mulf %mul3A_257, %mul3A_257 : vector<16xf32>
    %mul3A_259 = arith.mulf %mul3A_258, %mul3A_258 : vector<16xf32>
    %add3A_260 = arith.constant 1.000000e+00 : f32
    %add3A_261 = vector.broadcast %add3A_260 : f32 to vector<16xf32>
    %add3A_262 = arith.addf %add3A_261, %mul3A_259 : vector<16xf32>
    %div3A_263 = arith.constant 1.000000e+00 : f32
    %div3A_264 = vector.broadcast %div3A_263 : f32 to vector<16xf32>
    %div3A_265 = arith.divf %div3A_264, %add3A_262 : vector<16xf32>
    %swap3A_266 = arith.constant 224 : index
    %swap3A_267 = tpu.vector_load %arg5[%swap3A_266] {strides = array<i32>} : memref<1024xf32, #tpu.memory_space<vmem>>, vector<16xf32>,
    %swap3A_268 = vector.shape_cast %swap3A_267 : vector<16xf32> to vector<16xf32>
    %swap3A_269 = vector.shape_cast %div3A_265 : vector<16xf32> to vector<16xf32>
    tpu.vector_store %arg5[%swap3A_266], %swap3A_269 {strides = array<i32>} : memref<1024xf32, #tpu.memory_space<vmem>>, vector<16xf32>,
    %get3A_270 = arith.constant 240 : index
    %get3A_271 = tpu.vector_load %arg4[%get3A_270] {strides = array<i32>} : memref<1024xf32, #tpu.memory_space<vmem>>, vector<16xf32>,
    %get3A_272 = vector.shape_cast %get3A_271 : vector<16xf32> to vector<16xf32>
    %mul3A_273 = arith.constant 2.000000e+00 : f32
    %mul3A_274 = vector.broadcast %mul3A_273 : f32 to vector<16xf32>
    %mul3A_275 = arith.mulf %get3A_272, %mul3A_274 : vector<16xf32>
    %mul3A_276 = arith.mulf %mul3A_275, %mul3A_275 : vector<16xf32>
    %mul3A_277 = arith.mulf %mul3A_276, %mul3A_276 : vector<16xf32>
    %add3A_278 = arith.constant 1.000000e+00 : f32
    %add3A_279 = vector.broadcast %add3A_278 : f32 to vector<16xf32>
    %add3A_280 = arith.addf %add3A_279, %mul3A_277 : vector<16xf32>
    %div3A_281 = arith.constant 1.000000e+00 : f32
    %div3A_282 = vector.broadcast %div3A_281 : f32 to vector<16xf32>
    %div3A_283 = arith.divf %div3A_282, %add3A_280 : vector<16xf32>
    %swap3A_284 = arith.constant 240 : index
    %swap3A_285 = tpu.vector_load %arg5[%swap3A_284] {strides = array<i32>} : memref<1024xf32, #tpu.memory_space<vmem>>, vector<16xf32>,
    %swap3A_286 = vector.shape_cast %swap3A_285 : vector<16xf32> to vector<16xf32>
    %swap3A_287 = vector.shape_cast %div3A_283 : vector<16xf32> to vector<16xf32>
    tpu.vector_store %arg5[%swap3A_284], %swap3A_287 {strides = array<i32>} : memref<1024xf32, #tpu.memory_space<vmem>>, vector<16xf32>,
    %get3A_288 = arith.constant 256 : index
    %get3A_289 = tpu.vector_load %arg4[%get3A_288] {strides = array<i32>} : memref<1024xf32, #tpu.memory_space<vmem>>, vector<16xf32>,
    %get3A_290 = vector.shape_cast %get3A_289 : vector<16xf32> to vector<16xf32>
    %mul3A_291 = arith.constant 2.000000e+00 : f32
    %mul3A_292 = vector.broadcast %mul3A_291 : f32 to vector<16xf32>
    %mul3A_293 = arith.mulf %get3A_290, %mul3A_292 : vector<16xf32>
    %mul3A_294 = arith.mulf %mul3A_293, %mul3A_293 : vector<16xf32>
    %mul3A_295 = arith.mulf %mul3A_294, %mul3A_294 : vector<16xf32>
    %add3A_296 = arith.constant 1.000000e+00 : f32
    %add3A_297 = vector.broadcast %add3A_296 : f32 to vector<16xf32>
    %add3A_298 = arith.addf %add3A_297, %mul3A_295 : vector<16xf32>
    %div3A_299 = arith.constant 1.000000e+00 : f32
    %div3A_300 = vector.broadcast %div3A_299 : f32 to vector<16xf32>
    %div3A_301 = arith.divf %div3A_300, %add3A_298 : vector<16xf32>
    %swap3A_302 = arith.constant 256 : index
    %swap3A_303 = tpu.vector_load %arg5[%swap3A_302] {strides = array<i32>} : memref<1024xf32, #tpu.memory_space<vmem>>, vector<16xf32>,
    %swap3A_304 = vector.shape_cast %swap3A_303 : vector<16xf32> to vector<16xf32>
    %swap3A_305 = vector.shape_cast %div3A_301 : vector<16xf32> to vector<16xf32>
    tpu.vector_store %arg5[%swap3A_302], %swap3A_305 {strides = array<i32>} : memref<1024xf32, #tpu.memory_space<vmem>>, vector<16xf32>,
    %get3A_306 = arith.constant 272 : index
    %get3A_307 = tpu.vector_load %arg4[%get3A_306] {strides = array<i32>} : memref<1024xf32, #tpu.memory_space<vmem>>, vector<16xf32>,
    %get3A_308 = vector.shape_cast %get3A_307 : vector<16xf32> to vector<16xf32>
    %mul3A_309 = arith.constant 2.000000e+00 : f32
    %mul3A_310 = vector.broadcast %mul3A_309 : f32 to vector<16xf32>
    %mul3A_311 = arith.mulf %get3A_308, %mul3A_310 : vector<16xf32>
    %mul3A_312 = arith.mulf %mul3A_311, %mul3A_311 : vector<16xf32>
    %mul3A_313 = arith.mulf %mul3A_312, %mul3A_312 : vector<16xf32>
    %add3A_314 = arith.constant 1.000000e+00 : f32
    %add3A_315 = vector.broadcast %add3A_314 : f32 to vector<16xf32>
    %add3A_316 = arith.addf %add3A_315, %mul3A_313 : vector<16xf32>
    %div3A_317 = arith.constant 1.000000e+00 : f32
    %div3A_318 = vector.broadcast %div3A_317 : f32 to vector<16xf32>
    %div3A_319 = arith.divf %div3A_318, %add3A_316 : vector<16xf32>
    %swap3A_320 = arith.constant 272 : index
    %swap3A_321 = tpu.vector_load %arg5[%swap3A_320] {strides = array<i32>} : memref<1024xf32, #tpu.memory_space<vmem>>, vector<16xf32>,
    %swap3A_322 = vector.shape_cast %swap3A_321 : vector<16xf32> to vector<16xf32>
    %swap3A_323 = vector.shape_cast %div3A_319 : vector<16xf32> to vector<16xf32>
    tpu.vector_store %arg5[%swap3A_320], %swap3A_323 {strides = array<i32>} : memref<1024xf32, #tpu.memory_space<vmem>>, vector<16xf32>,
    %get3A_324 = arith.constant 288 : index
    %get3A_325 = tpu.vector_load %arg4[%get3A_324] {strides = array<i32>} : memref<1024xf32, #tpu.memory_space<vmem>>, vector<16xf32>,
    %get3A_326 = vector.shape_cast %get3A_325 : vector<16xf32> to vector<16xf32>
    %mul3A_327 = arith.constant 2.000000e+00 : f32
    %mul3A_328 = vector.broadcast %mul3A_327 : f32 to vector<16xf32>
    %mul3A_329 = arith.mulf %get3A_326, %mul3A_328 : vector<16xf32>
    %mul3A_330 = arith.mulf %mul3A_329, %mul3A_329 : vector<16xf32>
    %mul3A_331 = arith.mulf %mul3A_330, %mul3A_330 : vector<16xf32>
    %add3A_332 = arith.constant 1.000000e+00 : f32
    %add3A_333 = vector.broadcast %add3A_332 : f32 to vector<16xf32>
    %add3A_334 = arith.addf %add3A_333, %mul3A_331 : vector<16xf32>
    %div3A_335 = arith.constant 1.000000e+00 : f32
    %div3A_336 = vector.broadcast %div3A_335 : f32 to vector<16xf32>
    %div3A_337 = arith.divf %div3A_336, %add3A_334 : vector<16xf32>
    %swap3A_338 = arith.constant 288 : index
    %swap3A_339 = tpu.vector_load %arg5[%swap3A_338] {strides = array<i32>} : memref<1024xf32, #tpu.memory_space<vmem>>, vector<16xf32>,
    %swap3A_340 = vector.shape_cast %swap3A_339 : vector<16xf32> to vector<16xf32>
    %swap3A_341 = vector.shape_cast %div3A_337 : vector<16xf32> to vector<16xf32>
    tpu.vector_store %arg5[%swap3A_338], %swap3A_341 {strides = array<i32>} : memref<1024xf32, #tpu.memory_space<vmem>>, vector<16xf32>,
    %get3A_342 = arith.constant 304 : index
    %get3A_343 = tpu.vector_load %arg4[%get3A_342] {strides = array<i32>} : memref<1024xf32, #tpu.memory_space<vmem>>, vector<16xf32>,
    %get3A_344 = vector.shape_cast %get3A_343 : vector<16xf32> to vector<16xf32>
    %mul3A_345 = arith.constant 2.000000e+00 : f32
    %mul3A_346 = vector.broadcast %mul3A_345 : f32 to vector<16xf32>
    %mul3A_347 = arith.mulf %get3A_344, %mul3A_346 : vector<16xf32>
    %mul3A_348 = arith.mulf %mul3A_347, %mul3A_347 : vector<16xf32>
    %mul3A_349 = arith.mulf %mul3A_348, %mul3A_348 : vector<16xf32>
    %add3A_350 = arith.constant 1.000000e+00 : f32
    %add3A_351 = vector.broadcast %add3A_350 : f32 to vector<16xf32>
    %add3A_352 = arith.addf %add3A_351, %mul3A_349 : vector<16xf32>
    %div3A_353 = arith.constant 1.000000e+00 : f32
    %div3A_354 = vector.broadcast %div3A_353 : f32 to vector<16xf32>
    %div3A_355 = arith.divf %div3A_354, %add3A_352 : vector<16xf32>
    %swap3A_356 = arith.constant 304 : index
    %swap3A_357 = tpu.vector_load %arg5[%swap3A_356] {strides = array<i32>} : memref<1024xf32, #tpu.memory_space<vmem>>, vector<16xf32>,
    %swap3A_358 = vector.shape_cast %swap3A_357 : vector<16xf32> to vector<16xf32>
    %swap3A_359 = vector.shape_cast %div3A_355 : vector<16xf32> to vector<16xf32>
    tpu.vector_store %arg5[%swap3A_356], %swap3A_359 {strides = array<i32>} : memref<1024xf32, #tpu.memory_space<vmem>>, vector<16xf32>,
    %get3A_360 = arith.constant 320 : index
    %get3A_361 = tpu.vector_load %arg4[%get3A_360] {strides = array<i32>} : memref<1024xf32, #tpu.memory_space<vmem>>, vector<16xf32>,
    %get3A_362 = vector.shape_cast %get3A_361 : vector<16xf32> to vector<16xf32>
    %mul3A_363 = arith.constant 2.000000e+00 : f32
    %mul3A_364 = vector.broadcast %mul3A_363 : f32 to vector<16xf32>
    %mul3A_365 = arith.mulf %get3A_362, %mul3A_364 : vector<16xf32>
    %mul3A_366 = arith.mulf %mul3A_365, %mul3A_365 : vector<16xf32>
    %mul3A_367 = arith.mulf %mul3A_366, %mul3A_366 : vector<16xf32>
    %add3A_368 = arith.constant 1.000000e+00 : f32
    %add3A_369 = vector.broadcast %add3A_368 : f32 to vector<16xf32>
    %add3A_370 = arith.addf %add3A_369, %mul3A_367 : vector<16xf32>
    %div3A_371 = arith.constant 1.000000e+00 : f32
    %div3A_372 = vector.broadcast %div3A_371 : f32 to vector<16xf32>
    %div3A_373 = arith.divf %div3A_372, %add3A_370 : vector<16xf32>
    %swap3A_374 = arith.constant 320 : index
    %swap3A_375 = tpu.vector_load %arg5[%swap3A_374] {strides = array<i32>} : memref<1024xf32, #tpu.memory_space<vmem>>, vector<16xf32>,
    %swap3A_376 = vector.shape_cast %swap3A_375 : vector<16xf32> to vector<16xf32>
    %swap3A_377 = vector.shape_cast %div3A_373 : vector<16xf32> to vector<16xf32>
    tpu.vector_store %arg5[%swap3A_374], %swap3A_377 {strides = array<i32>} : memref<1024xf32, #tpu.memory_space<vmem>>, vector<16xf32>,
    %get3A_378 = arith.constant 336 : index
    %get3A_379 = tpu.vector_load %arg4[%get3A_378] {strides = array<i32>} : memref<1024xf32, #tpu.memory_space<vmem>>, vector<16xf32>,
    %get3A_380 = vector.shape_cast %get3A_379 : vector<16xf32> to vector<16xf32>
    %mul3A_381 = arith.constant 2.000000e+00 : f32
    %mul3A_382 = vector.broadcast %mul3A_381 : f32 to vector<16xf32>
    %mul3A_383 = arith.mulf %get3A_380, %mul3A_382 : vector<16xf32>
    %mul3A_384 = arith.mulf %mul3A_383, %mul3A_383 : vector<16xf32>
    %mul3A_385 = arith.mulf %mul3A_384, %mul3A_384 : vector<16xf32>
    %add3A_386 = arith.constant 1.000000e+00 : f32
    %add3A_387 = vector.broadcast %add3A_386 : f32 to vector<16xf32>
    %add3A_388 = arith.addf %add3A_387, %mul3A_385 : vector<16xf32>
    %div3A_389 = arith.constant 1.000000e+00 : f32
    %div3A_390 = vector.broadcast %div3A_389 : f32 to vector<16xf32>
    %div3A_391 = arith.divf %div3A_390, %add3A_388 : vector<16xf32>
    %swap3A_392 = arith.constant 336 : index
    %swap3A_393 = tpu.vector_load %arg5[%swap3A_392] {strides = array<i32>} : memref<1024xf32, #tpu.memory_space<vmem>>, vector<16xf32>,
    %swap3A_394 = vector.shape_cast %swap3A_393 : vector<16xf32> to vector<16xf32>
    %swap3A_395 = vector.shape_cast %div3A_391 : vector<16xf32> to vector<16xf32>
    tpu.vector_store %arg5[%swap3A_392], %swap3A_395 {strides = array<i32>} : memref<1024xf32, #tpu.memory_space<vmem>>, vector<16xf32>,
    %get3A_396 = arith.constant 352 : index
    %get3A_397 = tpu.vector_load %arg4[%get3A_396] {strides = array<i32>} : memref<1024xf32, #tpu.memory_space<vmem>>, vector<16xf32>,
    %get3A_398 = vector.shape_cast %get3A_397 : vector<16xf32> to vector<16xf32>
    %mul3A_399 = arith.constant 2.000000e+00 : f32
    %mul3A_400 = vector.broadcast %mul3A_399 : f32 to vector<16xf32>
    %mul3A_401 = arith.mulf %get3A_398, %mul3A_400 : vector<16xf32>
    %mul3A_402 = arith.mulf %mul3A_401, %mul3A_401 : vector<16xf32>
    %mul3A_403 = arith.mulf %mul3A_402, %mul3A_402 : vector<16xf32>
    %add3A_404 = arith.constant 1.000000e+00 : f32
    %add3A_405 = vector.broadcast %add3A_404 : f32 to vector<16xf32>
    %add3A_406 = arith.addf %add3A_405, %mul3A_403 : vector<16xf32>
    %div3A_407 = arith.constant 1.000000e+00 : f32
    %div3A_408 = vector.broadcast %div3A_407 : f32 to vector<16xf32>
    %div3A_409 = arith.divf %div3A_408, %add3A_406 : vector<16xf32>
    %swap3A_410 = arith.constant 352 : index
    %swap3A_411 = tpu.vector_load %arg5[%swap3A_410] {strides = array<i32>} : memref<1024xf32, #tpu.memory_space<vmem>>, vector<16xf32>,
    %swap3A_412 = vector.shape_cast %swap3A_411 : vector<16xf32> to vector<16xf32>
    %swap3A_413 = vector.shape_cast %div3A_409 : vector<16xf32> to vector<16xf32>
    tpu.vector_store %arg5[%swap3A_410], %swap3A_413 {strides = array<i32>} : memref<1024xf32, #tpu.memory_space<vmem>>, vector<16xf32>,
    %get3A_414 = arith.constant 368 : index
    %get3A_415 = tpu.vector_load %arg4[%get3A_414] {strides = array<i32>} : memref<1024xf32, #tpu.memory_space<vmem>>, vector<16xf32>,
    %get3A_416 = vector.shape_cast %get3A_415 : vector<16xf32> to vector<16xf32>
    %mul3A_417 = arith.constant 2.000000e+00 : f32
    %mul3A_418 = vector.broadcast %mul3A_417 : f32 to vector<16xf32>
    %mul3A_419 = arith.mulf %get3A_416, %mul3A_418 : vector<16xf32>
    %mul3A_420 = arith.mulf %mul3A_419, %mul3A_419 : vector<16xf32>
    %mul3A_421 = arith.mulf %mul3A_420, %mul3A_420 : vector<16xf32>
    %add3A_422 = arith.constant 1.000000e+00 : f32
    %add3A_423 = vector.broadcast %add3A_422 : f32 to vector<16xf32>
    %add3A_424 = arith.addf %add3A_423, %mul3A_421 : vector<16xf32>
    %div3A_425 = arith.constant 1.000000e+00 : f32
    %div3A_426 = vector.broadcast %div3A_425 : f32 to vector<16xf32>
    %div3A_427 = arith.divf %div3A_426, %add3A_424 : vector<16xf32>
    %swap3A_428 = arith.constant 368 : index
    %swap3A_429 = tpu.vector_load %arg5[%swap3A_428] {strides = array<i32>} : memref<1024xf32, #tpu.memory_space<vmem>>, vector<16xf32>,
    %swap3A_430 = vector.shape_cast %swap3A_429 : vector<16xf32> to vector<16xf32>
    %swap3A_431 = vector.shape_cast %div3A_427 : vector<16xf32> to vector<16xf32>
    tpu.vector_store %arg5[%swap3A_428], %swap3A_431 {strides = array<i32>} : memref<1024xf32, #tpu.memory_space<vmem>>, vector<16xf32>,
    %get3A_432 = arith.constant 384 : index
    %get3A_433 = tpu.vector_load %arg4[%get3A_432] {strides = array<i32>} : memref<1024xf32, #tpu.memory_space<vmem>>, vector<16xf32>,
    %get3A_434 = vector.shape_cast %get3A_433 : vector<16xf32> to vector<16xf32>
    %mul3A_435 = arith.constant 2.000000e+00 : f32
    %mul3A_436 = vector.broadcast %mul3A_435 : f32 to vector<16xf32>
    %mul3A_437 = arith.mulf %get3A_434, %mul3A_436 : vector<16xf32>
    %mul3A_438 = arith.mulf %mul3A_437, %mul3A_437 : vector<16xf32>
    %mul3A_439 = arith.mulf %mul3A_438, %mul3A_438 : vector<16xf32>
    %add3A_440 = arith.constant 1.000000e+00 : f32
    %add3A_441 = vector.broadcast %add3A_440 : f32 to vector<16xf32>
    %add3A_442 = arith.addf %add3A_441, %mul3A_439 : vector<16xf32>
    %div3A_443 = arith.constant 1.000000e+00 : f32
    %div3A_444 = vector.broadcast %div3A_443 : f32 to vector<16xf32>
    %div3A_445 = arith.divf %div3A_444, %add3A_442 : vector<16xf32>
    %swap3A_446 = arith.constant 384 : index
    %swap3A_447 = tpu.vector_load %arg5[%swap3A_446] {strides = array<i32>} : memref<1024xf32, #tpu.memory_space<vmem>>, vector<16xf32>,
    %swap3A_448 = vector.shape_cast %swap3A_447 : vector<16xf32> to vector<16xf32>
    %swap3A_449 = vector.shape_cast %div3A_445 : vector<16xf32> to vector<16xf32>
    tpu.vector_store %arg5[%swap3A_446], %swap3A_449 {strides = array<i32>} : memref<1024xf32, #tpu.memory_space<vmem>>, vector<16xf32>,
    %get3A_450 = arith.constant 400 : index
    %get3A_451 = tpu.vector_load %arg4[%get3A_450] {strides = array<i32>} : memref<1024xf32, #tpu.memory_space<vmem>>, vector<16xf32>,
    %get3A_452 = vector.shape_cast %get3A_451 : vector<16xf32> to vector<16xf32>
    %mul3A_453 = arith.constant 2.000000e+00 : f32
    %mul3A_454 = vector.broadcast %mul3A_453 : f32 to vector<16xf32>
    %mul3A_455 = arith.mulf %get3A_452, %mul3A_454 : vector<16xf32>
    %mul3A_456 = arith.mulf %mul3A_455, %mul3A_455 : vector<16xf32>
    %mul3A_457 = arith.mulf %mul3A_456, %mul3A_456 : vector<16xf32>
    %add3A_458 = arith.constant 1.000000e+00 : f32
    %add3A_459 = vector.broadcast %add3A_458 : f32 to vector<16xf32>
    %add3A_460 = arith.addf %add3A_459, %mul3A_457 : vector<16xf32>
    %div3A_461 = arith.constant 1.000000e+00 : f32
    %div3A_462 = vector.broadcast %div3A_461 : f32 to vector<16xf32>
    %div3A_463 = arith.divf %div3A_462, %add3A_460 : vector<16xf32>
    %swap3A_464 = arith.constant 400 : index
    %swap3A_465 = tpu.vector_load %arg5[%swap3A_464] {strides = array<i32>} : memref<1024xf32, #tpu.memory_space<vmem>>, vector<16xf32>,
    %swap3A_466 = vector.shape_cast %swap3A_465 : vector<16xf32> to vector<16xf32>
    %swap3A_467 = vector.shape_cast %div3A_463 : vector<16xf32> to vector<16xf32>
    tpu.vector_store %arg5[%swap3A_464], %swap3A_467 {strides = array<i32>} : memref<1024xf32, #tpu.memory_space<vmem>>, vector<16xf32>,
    %get3A_468 = arith.constant 416 : index
    %get3A_469 = tpu.vector_load %arg4[%get3A_468] {strides = array<i32>} : memref<1024xf32, #tpu.memory_space<vmem>>, vector<16xf32>,
    %get3A_470 = vector.shape_cast %get3A_469 : vector<16xf32> to vector<16xf32>
    %mul3A_471 = arith.constant 2.000000e+00 : f32
    %mul3A_472 = vector.broadcast %mul3A_471 : f32 to vector<16xf32>
    %mul3A_473 = arith.mulf %get3A_470, %mul3A_472 : vector<16xf32>
    %mul3A_474 = arith.mulf %mul3A_473, %mul3A_473 : vector<16xf32>
    %mul3A_475 = arith.mulf %mul3A_474, %mul3A_474 : vector<16xf32>
    %add3A_476 = arith.constant 1.000000e+00 : f32
    %add3A_477 = vector.broadcast %add3A_476 : f32 to vector<16xf32>
    %add3A_478 = arith.addf %add3A_477, %mul3A_475 : vector<16xf32>
    %div3A_479 = arith.constant 1.000000e+00 : f32
    %div3A_480 = vector.broadcast %div3A_479 : f32 to vector<16xf32>
    %div3A_481 = arith.divf %div3A_480, %add3A_478 : vector<16xf32>
    %swap3A_482 = arith.constant 416 : index
    %swap3A_483 = tpu.vector_load %arg5[%swap3A_482] {strides = array<i32>} : memref<1024xf32, #tpu.memory_space<vmem>>, vector<16xf32>,
    %swap3A_484 = vector.shape_cast %swap3A_483 : vector<16xf32> to vector<16xf32>
    %swap3A_485 = vector.shape_cast %div3A_481 : vector<16xf32> to vector<16xf32>
    tpu.vector_store %arg5[%swap3A_482], %swap3A_485 {strides = array<i32>} : memref<1024xf32, #tpu.memory_space<vmem>>, vector<16xf32>,
    %get3A_486 = arith.constant 432 : index
    %get3A_487 = tpu.vector_load %arg4[%get3A_486] {strides = array<i32>} : memref<1024xf32, #tpu.memory_space<vmem>>, vector<16xf32>,
    %get3A_488 = vector.shape_cast %get3A_487 : vector<16xf32> to vector<16xf32>
    %mul3A_489 = arith.constant 2.000000e+00 : f32
    %mul3A_490 = vector.broadcast %mul3A_489 : f32 to vector<16xf32>
    %mul3A_491 = arith.mulf %get3A_488, %mul3A_490 : vector<16xf32>
    %mul3A_492 = arith.mulf %mul3A_491, %mul3A_491 : vector<16xf32>
    %mul3A_493 = arith.mulf %mul3A_492, %mul3A_492 : vector<16xf32>
    %add3A_494 = arith.constant 1.000000e+00 : f32
    %add3A_495 = vector.broadcast %add3A_494 : f32 to vector<16xf32>
    %add3A_496 = arith.addf %add3A_495, %mul3A_493 : vector<16xf32>
    %div3A_497 = arith.constant 1.000000e+00 : f32
    %div3A_498 = vector.broadcast %div3A_497 : f32 to vector<16xf32>
    %div3A_499 = arith.divf %div3A_498, %add3A_496 : vector<16xf32>
    %swap3A_500 = arith.constant 432 : index
    %swap3A_501 = tpu.vector_load %arg5[%swap3A_500] {strides = array<i32>} : memref<1024xf32, #tpu.memory_space<vmem>>, vector<16xf32>,
    %swap3A_502 = vector.shape_cast %swap3A_501 : vector<16xf32> to vector<16xf32>
    %swap3A_503 = vector.shape_cast %div3A_499 : vector<16xf32> to vector<16xf32>
    tpu.vector_store %arg5[%swap3A_500], %swap3A_503 {strides = array<i32>} : memref<1024xf32, #tpu.memory_space<vmem>>, vector<16xf32>,
    %get3A_504 = arith.constant 448 : index
    %get3A_505 = tpu.vector_load %arg4[%get3A_504] {strides = array<i32>} : memref<1024xf32, #tpu.memory_space<vmem>>, vector<16xf32>,
    %get3A_506 = vector.shape_cast %get3A_505 : vector<16xf32> to vector<16xf32>
    %mul3A_507 = arith.constant 2.000000e+00 : f32
    %mul3A_508 = vector.broadcast %mul3A_507 : f32 to vector<16xf32>
    %mul3A_509 = arith.mulf %get3A_506, %mul3A_508 : vector<16xf32>
    %mul3A_510 = arith.mulf %mul3A_509, %mul3A_509 : vector<16xf32>
    %mul3A_511 = arith.mulf %mul3A_510, %mul3A_510 : vector<16xf32>
    %add3A_512 = arith.constant 1.000000e+00 : f32
    %add3A_513 = vector.broadcast %add3A_512 : f32 to vector<16xf32>
    %add3A_514 = arith.addf %add3A_513, %mul3A_511 : vector<16xf32>
    %div3A_515 = arith.constant 1.000000e+00 : f32
    %div3A_516 = vector.broadcast %div3A_515 : f32 to vector<16xf32>
    %div3A_517 = arith.divf %div3A_516, %add3A_514 : vector<16xf32>
    %swap3A_518 = arith.constant 448 : index
    %swap3A_519 = tpu.vector_load %arg5[%swap3A_518] {strides = array<i32>} : memref<1024xf32, #tpu.memory_space<vmem>>, vector<16xf32>,
    %swap3A_520 = vector.shape_cast %swap3A_519 : vector<16xf32> to vector<16xf32>
    %swap3A_521 = vector.shape_cast %div3A_517 : vector<16xf32> to vector<16xf32>
    tpu.vector_store %arg5[%swap3A_518], %swap3A_521 {strides = array<i32>} : memref<1024xf32, #tpu.memory_space<vmem>>, vector<16xf32>,
    %get3A_522 = arith.constant 464 : index
    %get3A_523 = tpu.vector_load %arg4[%get3A_522] {strides = array<i32>} : memref<1024xf32, #tpu.memory_space<vmem>>, vector<16xf32>,
    %get3A_524 = vector.shape_cast %get3A_523 : vector<16xf32> to vector<16xf32>
    %mul3A_525 = arith.constant 2.000000e+00 : f32
    %mul3A_526 = vector.broadcast %mul3A_525 : f32 to vector<16xf32>
    %mul3A_527 = arith.mulf %get3A_524, %mul3A_526 : vector<16xf32>
    %mul3A_528 = arith.mulf %mul3A_527, %mul3A_527 : vector<16xf32>
    %mul3A_529 = arith.mulf %mul3A_528, %mul3A_528 : vector<16xf32>
    %add3A_530 = arith.constant 1.000000e+00 : f32
    %add3A_531 = vector.broadcast %add3A_530 : f32 to vector<16xf32>
    %add3A_532 = arith.addf %add3A_531, %mul3A_529 : vector<16xf32>
    %div3A_533 = arith.constant 1.000000e+00 : f32
    %div3A_534 = vector.broadcast %div3A_533 : f32 to vector<16xf32>
    %div3A_535 = arith.divf %div3A_534, %add3A_532 : vector<16xf32>
    %swap3A_536 = arith.constant 464 : index
    %swap3A_537 = tpu.vector_load %arg5[%swap3A_536] {strides = array<i32>} : memref<1024xf32, #tpu.memory_space<vmem>>, vector<16xf32>,
    %swap3A_538 = vector.shape_cast %swap3A_537 : vector<16xf32> to vector<16xf32>
    %swap3A_539 = vector.shape_cast %div3A_535 : vector<16xf32> to vector<16xf32>
    tpu.vector_store %arg5[%swap3A_536], %swap3A_539 {strides = array<i32>} : memref<1024xf32, #tpu.memory_space<vmem>>, vector<16xf32>,
    %get3A_540 = arith.constant 480 : index
    %get3A_541 = tpu.vector_load %arg4[%get3A_540] {strides = array<i32>} : memref<1024xf32, #tpu.memory_space<vmem>>, vector<16xf32>,
    %get3A_542 = vector.shape_cast %get3A_541 : vector<16xf32> to vector<16xf32>
    %mul3A_543 = arith.constant 2.000000e+00 : f32
    %mul3A_544 = vector.broadcast %mul3A_543 : f32 to vector<16xf32>
    %mul3A_545 = arith.mulf %get3A_542, %mul3A_544 : vector<16xf32>
    %mul3A_546 = arith.mulf %mul3A_545, %mul3A_545 : vector<16xf32>
    %mul3A_547 = arith.mulf %mul3A_546, %mul3A_546 : vector<16xf32>
    %add3A_548 = arith.constant 1.000000e+00 : f32
    %add3A_549 = vector.broadcast %add3A_548 : f32 to vector<16xf32>
    %add3A_550 = arith.addf %add3A_549, %mul3A_547 : vector<16xf32>
    %div3A_551 = arith.constant 1.000000e+00 : f32
    %div3A_552 = vector.broadcast %div3A_551 : f32 to vector<16xf32>
    %div3A_553 = arith.divf %div3A_552, %add3A_550 : vector<16xf32>
    %swap3A_554 = arith.constant 480 : index
    %swap3A_555 = tpu.vector_load %arg5[%swap3A_554] {strides = array<i32>} : memref<1024xf32, #tpu.memory_space<vmem>>, vector<16xf32>,
    %swap3A_556 = vector.shape_cast %swap3A_555 : vector<16xf32> to vector<16xf32>
    %swap3A_557 = vector.shape_cast %div3A_553 : vector<16xf32> to vector<16xf32>
    tpu.vector_store %arg5[%swap3A_554], %swap3A_557 {strides = array<i32>} : memref<1024xf32, #tpu.memory_space<vmem>>, vector<16xf32>,
    %get3A_558 = arith.constant 496 : index
    %get3A_559 = tpu.vector_load %arg4[%get3A_558] {strides = array<i32>} : memref<1024xf32, #tpu.memory_space<vmem>>, vector<16xf32>,
    %get3A_560 = vector.shape_cast %get3A_559 : vector<16xf32> to vector<16xf32>
    %mul3A_561 = arith.constant 2.000000e+00 : f32
    %mul3A_562 = vector.broadcast %mul3A_561 : f32 to vector<16xf32>
    %mul3A_563 = arith.mulf %get3A_560, %mul3A_562 : vector<16xf32>
    %mul3A_564 = arith.mulf %mul3A_563, %mul3A_563 : vector<16xf32>
    %mul3A_565 = arith.mulf %mul3A_564, %mul3A_564 : vector<16xf32>
    %add3A_566 = arith.constant 1.000000e+00 : f32
    %add3A_567 = vector.broadcast %add3A_566 : f32 to vector<16xf32>
    %add3A_568 = arith.addf %add3A_567, %mul3A_565 : vector<16xf32>
    %div3A_569 = arith.constant 1.000000e+00 : f32
    %div3A_570 = vector.broadcast %div3A_569 : f32 to vector<16xf32>
    %div3A_571 = arith.divf %div3A_570, %add3A_568 : vector<16xf32>
    %swap3A_572 = arith.constant 496 : index
    %swap3A_573 = tpu.vector_load %arg5[%swap3A_572] {strides = array<i32>} : memref<1024xf32, #tpu.memory_space<vmem>>, vector<16xf32>,
    %swap3A_574 = vector.shape_cast %swap3A_573 : vector<16xf32> to vector<16xf32>
    %swap3A_575 = vector.shape_cast %div3A_571 : vector<16xf32> to vector<16xf32>
    tpu.vector_store %arg5[%swap3A_572], %swap3A_575 {strides = array<i32>} : memref<1024xf32, #tpu.memory_space<vmem>>, vector<16xf32>,
    %get3A_576 = arith.constant 512 : index
    %get3A_577 = tpu.vector_load %arg4[%get3A_576] {strides = array<i32>} : memref<1024xf32, #tpu.memory_space<vmem>>, vector<16xf32>,
    %get3A_578 = vector.shape_cast %get3A_577 : vector<16xf32> to vector<16xf32>
    %mul3A_579 = arith.constant 2.000000e+00 : f32
    %mul3A_580 = vector.broadcast %mul3A_579 : f32 to vector<16xf32>
    %mul3A_581 = arith.mulf %get3A_578, %mul3A_580 : vector<16xf32>
    %mul3A_582 = arith.mulf %mul3A_581, %mul3A_581 : vector<16xf32>
    %mul3A_583 = arith.mulf %mul3A_582, %mul3A_582 : vector<16xf32>
    %add3A_584 = arith.constant 1.000000e+00 : f32
    %add3A_585 = vector.broadcast %add3A_584 : f32 to vector<16xf32>
    %add3A_586 = arith.addf %add3A_585, %mul3A_583 : vector<16xf32>
    %div3A_587 = arith.constant 1.000000e+00 : f32
    %div3A_588 = vector.broadcast %div3A_587 : f32 to vector<16xf32>
    %div3A_589 = arith.divf %div3A_588, %add3A_586 : vector<16xf32>
    %swap3A_590 = arith.constant 512 : index
    %swap3A_591 = tpu.vector_load %arg5[%swap3A_590] {strides = array<i32>} : memref<1024xf32, #tpu.memory_space<vmem>>, vector<16xf32>,
    %swap3A_592 = vector.shape_cast %swap3A_591 : vector<16xf32> to vector<16xf32>
    %swap3A_593 = vector.shape_cast %div3A_589 : vector<16xf32> to vector<16xf32>
    tpu.vector_store %arg5[%swap3A_590], %swap3A_593 {strides = array<i32>} : memref<1024xf32, #tpu.memory_space<vmem>>, vector<16xf32>,
    %get3A_594 = arith.constant 528 : index
    %get3A_595 = tpu.vector_load %arg4[%get3A_594] {strides = array<i32>} : memref<1024xf32, #tpu.memory_space<vmem>>, vector<16xf32>,
    %get3A_596 = vector.shape_cast %get3A_595 : vector<16xf32> to vector<16xf32>
    %mul3A_597 = arith.constant 2.000000e+00 : f32
    %mul3A_598 = vector.broadcast %mul3A_597 : f32 to vector<16xf32>
    %mul3A_599 = arith.mulf %get3A_596, %mul3A_598 : vector<16xf32>
    %mul3A_600 = arith.mulf %mul3A_599, %mul3A_599 : vector<16xf32>
    %mul3A_601 = arith.mulf %mul3A_600, %mul3A_600 : vector<16xf32>
    %add3A_602 = arith.constant 1.000000e+00 : f32
    %add3A_603 = vector.broadcast %add3A_602 : f32 to vector<16xf32>
    %add3A_604 = arith.addf %add3A_603, %mul3A_601 : vector<16xf32>
    %div3A_605 = arith.constant 1.000000e+00 : f32
    %div3A_606 = vector.broadcast %div3A_605 : f32 to vector<16xf32>
    %div3A_607 = arith.divf %div3A_606, %add3A_604 : vector<16xf32>
    %swap3A_608 = arith.constant 528 : index
    %swap3A_609 = tpu.vector_load %arg5[%swap3A_608] {strides = array<i32>} : memref<1024xf32, #tpu.memory_space<vmem>>, vector<16xf32>,
    %swap3A_610 = vector.shape_cast %swap3A_609 : vector<16xf32> to vector<16xf32>
    %swap3A_611 = vector.shape_cast %div3A_607 : vector<16xf32> to vector<16xf32>
    tpu.vector_store %arg5[%swap3A_608], %swap3A_611 {strides = array<i32>} : memref<1024xf32, #tpu.memory_space<vmem>>, vector<16xf32>,
    %get3A_612 = arith.constant 544 : index
    %get3A_613 = tpu.vector_load %arg4[%get3A_612] {strides = array<i32>} : memref<1024xf32, #tpu.memory_space<vmem>>, vector<16xf32>,
    %get3A_614 = vector.shape_cast %get3A_613 : vector<16xf32> to vector<16xf32>
    %mul3A_615 = arith.constant 2.000000e+00 : f32
    %mul3A_616 = vector.broadcast %mul3A_615 : f32 to vector<16xf32>
    %mul3A_617 = arith.mulf %get3A_614, %mul3A_616 : vector<16xf32>
    %mul3A_618 = arith.mulf %mul3A_617, %mul3A_617 : vector<16xf32>
    %mul3A_619 = arith.mulf %mul3A_618, %mul3A_618 : vector<16xf32>
    %add3A_620 = arith.constant 1.000000e+00 : f32
    %add3A_621 = vector.broadcast %add3A_620 : f32 to vector<16xf32>
    %add3A_622 = arith.addf %add3A_621, %mul3A_619 : vector<16xf32>
    %div3A_623 = arith.constant 1.000000e+00 : f32
    %div3A_624 = vector.broadcast %div3A_623 : f32 to vector<16xf32>
    %div3A_625 = arith.divf %div3A_624, %add3A_622 : vector<16xf32>
    %swap3A_626 = arith.constant 544 : index
    %swap3A_627 = tpu.vector_load %arg5[%swap3A_626] {strides = array<i32>} : memref<1024xf32, #tpu.memory_space<vmem>>, vector<16xf32>,
    %swap3A_628 = vector.shape_cast %swap3A_627 : vector<16xf32> to vector<16xf32>
    %swap3A_629 = vector.shape_cast %div3A_625 : vector<16xf32> to vector<16xf32>
    tpu.vector_store %arg5[%swap3A_626], %swap3A_629 {strides = array<i32>} : memref<1024xf32, #tpu.memory_space<vmem>>, vector<16xf32>,
    %get3A_630 = arith.constant 560 : index
    %get3A_631 = tpu.vector_load %arg4[%get3A_630] {strides = array<i32>} : memref<1024xf32, #tpu.memory_space<vmem>>, vector<16xf32>,
    %get3A_632 = vector.shape_cast %get3A_631 : vector<16xf32> to vector<16xf32>
    %mul3A_633 = arith.constant 2.000000e+00 : f32
    %mul3A_634 = vector.broadcast %mul3A_633 : f32 to vector<16xf32>
    %mul3A_635 = arith.mulf %get3A_632, %mul3A_634 : vector<16xf32>
    %mul3A_636 = arith.mulf %mul3A_635, %mul3A_635 : vector<16xf32>
    %mul3A_637 = arith.mulf %mul3A_636, %mul3A_636 : vector<16xf32>
    %add3A_638 = arith.constant 1.000000e+00 : f32
    %add3A_639 = vector.broadcast %add3A_638 : f32 to vector<16xf32>
    %add3A_640 = arith.addf %add3A_639, %mul3A_637 : vector<16xf32>
    %div3A_641 = arith.constant 1.000000e+00 : f32
    %div3A_642 = vector.broadcast %div3A_641 : f32 to vector<16xf32>
    %div3A_643 = arith.divf %div3A_642, %add3A_640 : vector<16xf32>
    %swap3A_644 = arith.constant 560 : index
    %swap3A_645 = tpu.vector_load %arg5[%swap3A_644] {strides = array<i32>} : memref<1024xf32, #tpu.memory_space<vmem>>, vector<16xf32>,
    %swap3A_646 = vector.shape_cast %swap3A_645 : vector<16xf32> to vector<16xf32>
    %swap3A_647 = vector.shape_cast %div3A_643 : vector<16xf32> to vector<16xf32>
    tpu.vector_store %arg5[%swap3A_644], %swap3A_647 {strides = array<i32>} : memref<1024xf32, #tpu.memory_space<vmem>>, vector<16xf32>,
    %get3A_648 = arith.constant 576 : index
    %get3A_649 = tpu.vector_load %arg4[%get3A_648] {strides = array<i32>} : memref<1024xf32, #tpu.memory_space<vmem>>, vector<16xf32>,
    %get3A_650 = vector.shape_cast %get3A_649 : vector<16xf32> to vector<16xf32>
    %mul3A_651 = arith.constant 2.000000e+00 : f32
    %mul3A_652 = vector.broadcast %mul3A_651 : f32 to vector<16xf32>
    %mul3A_653 = arith.mulf %get3A_650, %mul3A_652 : vector<16xf32>
    %mul3A_654 = arith.mulf %mul3A_653, %mul3A_653 : vector<16xf32>
    %mul3A_655 = arith.mulf %mul3A_654, %mul3A_654 : vector<16xf32>
    %add3A_656 = arith.constant 1.000000e+00 : f32
    %add3A_657 = vector.broadcast %add3A_656 : f32 to vector<16xf32>
    %add3A_658 = arith.addf %add3A_657, %mul3A_655 : vector<16xf32>
    %div3A_659 = arith.constant 1.000000e+00 : f32
    %div3A_660 = vector.broadcast %div3A_659 : f32 to vector<16xf32>
    %div3A_661 = arith.divf %div3A_660, %add3A_658 : vector<16xf32>
    %swap3A_662 = arith.constant 576 : index
    %swap3A_663 = tpu.vector_load %arg5[%swap3A_662] {strides = array<i32>} : memref<1024xf32, #tpu.memory_space<vmem>>, vector<16xf32>,
    %swap3A_664 = vector.shape_cast %swap3A_663 : vector<16xf32> to vector<16xf32>
    %swap3A_665 = vector.shape_cast %div3A_661 : vector<16xf32> to vector<16xf32>
    tpu.vector_store %arg5[%swap3A_662], %swap3A_665 {strides = array<i32>} : memref<1024xf32, #tpu.memory_space<vmem>>, vector<16xf32>,
    %get3A_666 = arith.constant 592 : index
    %get3A_667 = tpu.vector_load %arg4[%get3A_666] {strides = array<i32>} : memref<1024xf32, #tpu.memory_space<vmem>>, vector<16xf32>,
    %get3A_668 = vector.shape_cast %get3A_667 : vector<16xf32> to vector<16xf32>
    %mul3A_669 = arith.constant 2.000000e+00 : f32
    %mul3A_670 = vector.broadcast %mul3A_669 : f32 to vector<16xf32>
    %mul3A_671 = arith.mulf %get3A_668, %mul3A_670 : vector<16xf32>
    %mul3A_672 = arith.mulf %mul3A_671, %mul3A_671 : vector<16xf32>
    %mul3A_673 = arith.mulf %mul3A_672, %mul3A_672 : vector<16xf32>
    %add3A_674 = arith.constant 1.000000e+00 : f32
    %add3A_675 = vector.broadcast %add3A_674 : f32 to vector<16xf32>
    %add3A_676 = arith.addf %add3A_675, %mul3A_673 : vector<16xf32>
    %div3A_677 = arith.constant 1.000000e+00 : f32
    %div3A_678 = vector.broadcast %div3A_677 : f32 to vector<16xf32>
    %div3A_679 = arith.divf %div3A_678, %add3A_676 : vector<16xf32>
    %swap3A_680 = arith.constant 592 : index
    %swap3A_681 = tpu.vector_load %arg5[%swap3A_680] {strides = array<i32>} : memref<1024xf32, #tpu.memory_space<vmem>>, vector<16xf32>,
    %swap3A_682 = vector.shape_cast %swap3A_681 : vector<16xf32> to vector<16xf32>
    %swap3A_683 = vector.shape_cast %div3A_679 : vector<16xf32> to vector<16xf32>
    tpu.vector_store %arg5[%swap3A_680], %swap3A_683 {strides = array<i32>} : memref<1024xf32, #tpu.memory_space<vmem>>, vector<16xf32>,
    %get3A_684 = arith.constant 608 : index
    %get3A_685 = tpu.vector_load %arg4[%get3A_684] {strides = array<i32>} : memref<1024xf32, #tpu.memory_space<vmem>>, vector<16xf32>,
    %get3A_686 = vector.shape_cast %get3A_685 : vector<16xf32> to vector<16xf32>
    %mul3A_687 = arith.constant 2.000000e+00 : f32
    %mul3A_688 = vector.broadcast %mul3A_687 : f32 to vector<16xf32>
    %mul3A_689 = arith.mulf %get3A_686, %mul3A_688 : vector<16xf32>
    %mul3A_690 = arith.mulf %mul3A_689, %mul3A_689 : vector<16xf32>
    %mul3A_691 = arith.mulf %mul3A_690, %mul3A_690 : vector<16xf32>
    %add3A_692 = arith.constant 1.000000e+00 : f32
    %add3A_693 = vector.broadcast %add3A_692 : f32 to vector<16xf32>
    %add3A_694 = arith.addf %add3A_693, %mul3A_691 : vector<16xf32>
    %div3A_695 = arith.constant 1.000000e+00 : f32
    %div3A_696 = vector.broadcast %div3A_695 : f32 to vector<16xf32>
    %div3A_697 = arith.divf %div3A_696, %add3A_694 : vector<16xf32>
    %swap3A_698 = arith.constant 608 : index
    %swap3A_699 = tpu.vector_load %arg5[%swap3A_698] {strides = array<i32>} : memref<1024xf32, #tpu.memory_space<vmem>>, vector<16xf32>,
    %swap3A_700 = vector.shape_cast %swap3A_699 : vector<16xf32> to vector<16xf32>
    %swap3A_701 = vector.shape_cast %div3A_697 : vector<16xf32> to vector<16xf32>
    tpu.vector_store %arg5[%swap3A_698], %swap3A_701 {strides = array<i32>} : memref<1024xf32, #tpu.memory_space<vmem>>, vector<16xf32>,
    %get3A_702 = arith.constant 624 : index
    %get3A_703 = tpu.vector_load %arg4[%get3A_702] {strides = array<i32>} : memref<1024xf32, #tpu.memory_space<vmem>>, vector<16xf32>,
    %get3A_704 = vector.shape_cast %get3A_703 : vector<16xf32> to vector<16xf32>
    %mul3A_705 = arith.constant 2.000000e+00 : f32
    %mul3A_706 = vector.broadcast %mul3A_705 : f32 to vector<16xf32>
    %mul3A_707 = arith.mulf %get3A_704, %mul3A_706 : vector<16xf32>
    %mul3A_708 = arith.mulf %mul3A_707, %mul3A_707 : vector<16xf32>
    %mul3A_709 = arith.mulf %mul3A_708, %mul3A_708 : vector<16xf32>
    %add3A_710 = arith.constant 1.000000e+00 : f32
    %add3A_711 = vector.broadcast %add3A_710 : f32 to vector<16xf32>
    %add3A_712 = arith.addf %add3A_711, %mul3A_709 : vector<16xf32>
    %div3A_713 = arith.constant 1.000000e+00 : f32
    %div3A_714 = vector.broadcast %div3A_713 : f32 to vector<16xf32>
    %div3A_715 = arith.divf %div3A_714, %add3A_712 : vector<16xf32>
    %swap3A_716 = arith.constant 624 : index
    %swap3A_717 = tpu.vector_load %arg5[%swap3A_716] {strides = array<i32>} : memref<1024xf32, #tpu.memory_space<vmem>>, vector<16xf32>,
    %swap3A_718 = vector.shape_cast %swap3A_717 : vector<16xf32> to vector<16xf32>
    %swap3A_719 = vector.shape_cast %div3A_715 : vector<16xf32> to vector<16xf32>
    tpu.vector_store %arg5[%swap3A_716], %swap3A_719 {strides = array<i32>} : memref<1024xf32, #tpu.memory_space<vmem>>, vector<16xf32>,
    %get3A_720 = arith.constant 640 : index
    %get3A_721 = tpu.vector_load %arg4[%get3A_720] {strides = array<i32>} : memref<1024xf32, #tpu.memory_space<vmem>>, vector<16xf32>,
    %get3A_722 = vector.shape_cast %get3A_721 : vector<16xf32> to vector<16xf32>
    %mul3A_723 = arith.constant 2.000000e+00 : f32
    %mul3A_724 = vector.broadcast %mul3A_723 : f32 to vector<16xf32>
    %mul3A_725 = arith.mulf %get3A_722, %mul3A_724 : vector<16xf32>
    %mul3A_726 = arith.mulf %mul3A_725, %mul3A_725 : vector<16xf32>
    %mul3A_727 = arith.mulf %mul3A_726, %mul3A_726 : vector<16xf32>
    %add3A_728 = arith.constant 1.000000e+00 : f32
    %add3A_729 = vector.broadcast %add3A_728 : f32 to vector<16xf32>
    %add3A_730 = arith.addf %add3A_729, %mul3A_727 : vector<16xf32>
    %div3A_731 = arith.constant 1.000000e+00 : f32
    %div3A_732 = vector.broadcast %div3A_731 : f32 to vector<16xf32>
    %div3A_733 = arith.divf %div3A_732, %add3A_730 : vector<16xf32>
    %swap3A_734 = arith.constant 640 : index
    %swap3A_735 = tpu.vector_load %arg5[%swap3A_734] {strides = array<i32>} : memref<1024xf32, #tpu.memory_space<vmem>>, vector<16xf32>,
    %swap3A_736 = vector.shape_cast %swap3A_735 : vector<16xf32> to vector<16xf32>
    %swap3A_737 = vector.shape_cast %div3A_733 : vector<16xf32> to vector<16xf32>
    tpu.vector_store %arg5[%swap3A_734], %swap3A_737 {strides = array<i32>} : memref<1024xf32, #tpu.memory_space<vmem>>, vector<16xf32>,
    %get3A_738 = arith.constant 656 : index
    %get3A_739 = tpu.vector_load %arg4[%get3A_738] {strides = array<i32>} : memref<1024xf32, #tpu.memory_space<vmem>>, vector<16xf32>,
    %get3A_740 = vector.shape_cast %get3A_739 : vector<16xf32> to vector<16xf32>
    %mul3A_741 = arith.constant 2.000000e+00 : f32
    %mul3A_742 = vector.broadcast %mul3A_741 : f32 to vector<16xf32>
    %mul3A_743 = arith.mulf %get3A_740, %mul3A_742 : vector<16xf32>
    %mul3A_744 = arith.mulf %mul3A_743, %mul3A_743 : vector<16xf32>
    %mul3A_745 = arith.mulf %mul3A_744, %mul3A_744 : vector<16xf32>
    %add3A_746 = arith.constant 1.000000e+00 : f32
    %add3A_747 = vector.broadcast %add3A_746 : f32 to vector<16xf32>
    %add3A_748 = arith.addf %add3A_747, %mul3A_745 : vector<16xf32>
    %div3A_749 = arith.constant 1.000000e+00 : f32
    %div3A_750 = vector.broadcast %div3A_749 : f32 to vector<16xf32>
    %div3A_751 = arith.divf %div3A_750, %add3A_748 : vector<16xf32>
    %swap3A_752 = arith.constant 656 : index
    %swap3A_753 = tpu.vector_load %arg5[%swap3A_752] {strides = array<i32>} : memref<1024xf32, #tpu.memory_space<vmem>>, vector<16xf32>,
    %swap3A_754 = vector.shape_cast %swap3A_753 : vector<16xf32> to vector<16xf32>
    %swap3A_755 = vector.shape_cast %div3A_751 : vector<16xf32> to vector<16xf32>
    tpu.vector_store %arg5[%swap3A_752], %swap3A_755 {strides = array<i32>} : memref<1024xf32, #tpu.memory_space<vmem>>, vector<16xf32>,
    %get3A_756 = arith.constant 672 : index
    %get3A_757 = tpu.vector_load %arg4[%get3A_756] {strides = array<i32>} : memref<1024xf32, #tpu.memory_space<vmem>>, vector<16xf32>,
    %get3A_758 = vector.shape_cast %get3A_757 : vector<16xf32> to vector<16xf32>
    %mul3A_759 = arith.constant 2.000000e+00 : f32
    %mul3A_760 = vector.broadcast %mul3A_759 : f32 to vector<16xf32>
    %mul3A_761 = arith.mulf %get3A_758, %mul3A_760 : vector<16xf32>
    %mul3A_762 = arith.mulf %mul3A_761, %mul3A_761 : vector<16xf32>
    %mul3A_763 = arith.mulf %mul3A_762, %mul3A_762 : vector<16xf32>
    %add3A_764 = arith.constant 1.000000e+00 : f32
    %add3A_765 = vector.broadcast %add3A_764 : f32 to vector<16xf32>
    %add3A_766 = arith.addf %add3A_765, %mul3A_763 : vector<16xf32>
    %div3A_767 = arith.constant 1.000000e+00 : f32
    %div3A_768 = vector.broadcast %div3A_767 : f32 to vector<16xf32>
    %div3A_769 = arith.divf %div3A_768, %add3A_766 : vector<16xf32>
    %swap3A_770 = arith.constant 672 : index
    %swap3A_771 = tpu.vector_load %arg5[%swap3A_770] {strides = array<i32>} : memref<1024xf32, #tpu.memory_space<vmem>>, vector<16xf32>,
    %swap3A_772 = vector.shape_cast %swap3A_771 : vector<16xf32> to vector<16xf32>
    %swap3A_773 = vector.shape_cast %div3A_769 : vector<16xf32> to vector<16xf32>
    tpu.vector_store %arg5[%swap3A_770], %swap3A_773 {strides = array<i32>} : memref<1024xf32, #tpu.memory_space<vmem>>, vector<16xf32>,
    %get3A_774 = arith.constant 688 : index
    %get3A_775 = tpu.vector_load %arg4[%get3A_774] {strides = array<i32>} : memref<1024xf32, #tpu.memory_space<vmem>>, vector<16xf32>,
    %get3A_776 = vector.shape_cast %get3A_775 : vector<16xf32> to vector<16xf32>
    %mul3A_777 = arith.constant 2.000000e+00 : f32
    %mul3A_778 = vector.broadcast %mul3A_777 : f32 to vector<16xf32>
    %mul3A_779 = arith.mulf %get3A_776, %mul3A_778 : vector<16xf32>
    %mul3A_780 = arith.mulf %mul3A_779, %mul3A_779 : vector<16xf32>
    %mul3A_781 = arith.mulf %mul3A_780, %mul3A_780 : vector<16xf32>
    %add3A_782 = arith.constant 1.000000e+00 : f32
    %add3A_783 = vector.broadcast %add3A_782 : f32 to vector<16xf32>
    %add3A_784 = arith.addf %add3A_783, %mul3A_781 : vector<16xf32>
    %div3A_785 = arith.constant 1.000000e+00 : f32
    %div3A_786 = vector.broadcast %div3A_785 : f32 to vector<16xf32>
    %div3A_787 = arith.divf %div3A_786, %add3A_784 : vector<16xf32>
    %swap3A_788 = arith.constant 688 : index
    %swap3A_789 = tpu.vector_load %arg5[%swap3A_788] {strides = array<i32>} : memref<1024xf32, #tpu.memory_space<vmem>>, vector<16xf32>,
    %swap3A_790 = vector.shape_cast %swap3A_789 : vector<16xf32> to vector<16xf32>
    %swap3A_791 = vector.shape_cast %div3A_787 : vector<16xf32> to vector<16xf32>
    tpu.vector_store %arg5[%swap3A_788], %swap3A_791 {strides = array<i32>} : memref<1024xf32, #tpu.memory_space<vmem>>, vector<16xf32>,
    %get3A_792 = arith.constant 704 : index
    %get3A_793 = tpu.vector_load %arg4[%get3A_792] {strides = array<i32>} : memref<1024xf32, #tpu.memory_space<vmem>>, vector<16xf32>,
    %get3A_794 = vector.shape_cast %get3A_793 : vector<16xf32> to vector<16xf32>
    %mul3A_795 = arith.constant 2.000000e+00 : f32
    %mul3A_796 = vector.broadcast %mul3A_795 : f32 to vector<16xf32>
    %mul3A_797 = arith.mulf %get3A_794, %mul3A_796 : vector<16xf32>
    %mul3A_798 = arith.mulf %mul3A_797, %mul3A_797 : vector<16xf32>
    %mul3A_799 = arith.mulf %mul3A_798, %mul3A_798 : vector<16xf32>
    %add3A_800 = arith.constant 1.000000e+00 : f32
    %add3A_801 = vector.broadcast %add3A_800 : f32 to vector<16xf32>
    %add3A_802 = arith.addf %add3A_801, %mul3A_799 : vector<16xf32>
    %div3A_803 = arith.constant 1.000000e+00 : f32
    %div3A_804 = vector.broadcast %div3A_803 : f32 to vector<16xf32>
    %div3A_805 = arith.divf %div3A_804, %add3A_802 : vector<16xf32>
    %swap3A_806 = arith.constant 704 : index
    %swap3A_807 = tpu.vector_load %arg5[%swap3A_806] {strides = array<i32>} : memref<1024xf32, #tpu.memory_space<vmem>>, vector<16xf32>,
    %swap3A_808 = vector.shape_cast %swap3A_807 : vector<16xf32> to vector<16xf32>
    %swap3A_809 = vector.shape_cast %div3A_805 : vector<16xf32> to vector<16xf32>
    tpu.vector_store %arg5[%swap3A_806], %swap3A_809 {strides = array<i32>} : memref<1024xf32, #tpu.memory_space<vmem>>, vector<16xf32>,
    %get3A_810 = arith.constant 720 : index
    %get3A_811 = tpu.vector_load %arg4[%get3A_810] {strides = array<i32>} : memref<1024xf32, #tpu.memory_space<vmem>>, vector<16xf32>,
    %get3A_812 = vector.shape_cast %get3A_811 : vector<16xf32> to vector<16xf32>
    %mul3A_813 = arith.constant 2.000000e+00 : f32
    %mul3A_814 = vector.broadcast %mul3A_813 : f32 to vector<16xf32>
    %mul3A_815 = arith.mulf %get3A_812, %mul3A_814 : vector<16xf32>
    %mul3A_816 = arith.mulf %mul3A_815, %mul3A_815 : vector<16xf32>
    %mul3A_817 = arith.mulf %mul3A_816, %mul3A_816 : vector<16xf32>
    %add3A_818 = arith.constant 1.000000e+00 : f32
    %add3A_819 = vector.broadcast %add3A_818 : f32 to vector<16xf32>
    %add3A_820 = arith.addf %add3A_819, %mul3A_817 : vector<16xf32>
    %div3A_821 = arith.constant 1.000000e+00 : f32
    %div3A_822 = vector.broadcast %div3A_821 : f32 to vector<16xf32>
    %div3A_823 = arith.divf %div3A_822, %add3A_820 : vector<16xf32>
    %swap3A_824 = arith.constant 720 : index
    %swap3A_825 = tpu.vector_load %arg5[%swap3A_824] {strides = array<i32>} : memref<1024xf32, #tpu.memory_space<vmem>>, vector<16xf32>,
    %swap3A_826 = vector.shape_cast %swap3A_825 : vector<16xf32> to vector<16xf32>
    %swap3A_827 = vector.shape_cast %div3A_823 : vector<16xf32> to vector<16xf32>
    tpu.vector_store %arg5[%swap3A_824], %swap3A_827 {strides = array<i32>} : memref<1024xf32, #tpu.memory_space<vmem>>, vector<16xf32>,
    %get3A_828 = arith.constant 736 : index
    %get3A_829 = tpu.vector_load %arg4[%get3A_828] {strides = array<i32>} : memref<1024xf32, #tpu.memory_space<vmem>>, vector<16xf32>,
    %get3A_830 = vector.shape_cast %get3A_829 : vector<16xf32> to vector<16xf32>
    %mul3A_831 = arith.constant 2.000000e+00 : f32
    %mul3A_832 = vector.broadcast %mul3A_831 : f32 to vector<16xf32>
    %mul3A_833 = arith.mulf %get3A_830, %mul3A_832 : vector<16xf32>
    %mul3A_834 = arith.mulf %mul3A_833, %mul3A_833 : vector<16xf32>
    %mul3A_835 = arith.mulf %mul3A_834, %mul3A_834 : vector<16xf32>
    %add3A_836 = arith.constant 1.000000e+00 : f32
    %add3A_837 = vector.broadcast %add3A_836 : f32 to vector<16xf32>
    %add3A_838 = arith.addf %add3A_837, %mul3A_835 : vector<16xf32>
    %div3A_839 = arith.constant 1.000000e+00 : f32
    %div3A_840 = vector.broadcast %div3A_839 : f32 to vector<16xf32>
    %div3A_841 = arith.divf %div3A_840, %add3A_838 : vector<16xf32>
    %swap3A_842 = arith.constant 736 : index
    %swap3A_843 = tpu.vector_load %arg5[%swap3A_842] {strides = array<i32>} : memref<1024xf32, #tpu.memory_space<vmem>>, vector<16xf32>,
    %swap3A_844 = vector.shape_cast %swap3A_843 : vector<16xf32> to vector<16xf32>
    %swap3A_845 = vector.shape_cast %div3A_841 : vector<16xf32> to vector<16xf32>
    tpu.vector_store %arg5[%swap3A_842], %swap3A_845 {strides = array<i32>} : memref<1024xf32, #tpu.memory_space<vmem>>, vector<16xf32>,
    %get3A_846 = arith.constant 752 : index
    %get3A_847 = tpu.vector_load %arg4[%get3A_846] {strides = array<i32>} : memref<1024xf32, #tpu.memory_space<vmem>>, vector<16xf32>,
    %get3A_848 = vector.shape_cast %get3A_847 : vector<16xf32> to vector<16xf32>
    %mul3A_849 = arith.constant 2.000000e+00 : f32
    %mul3A_850 = vector.broadcast %mul3A_849 : f32 to vector<16xf32>
    %mul3A_851 = arith.mulf %get3A_848, %mul3A_850 : vector<16xf32>
    %mul3A_852 = arith.mulf %mul3A_851, %mul3A_851 : vector<16xf32>
    %mul3A_853 = arith.mulf %mul3A_852, %mul3A_852 : vector<16xf32>
    %add3A_854 = arith.constant 1.000000e+00 : f32
    %add3A_855 = vector.broadcast %add3A_854 : f32 to vector<16xf32>
    %add3A_856 = arith.addf %add3A_855, %mul3A_853 : vector<16xf32>
    %div3A_857 = arith.constant 1.000000e+00 : f32
    %div3A_858 = vector.broadcast %div3A_857 : f32 to vector<16xf32>
    %div3A_859 = arith.divf %div3A_858, %add3A_856 : vector<16xf32>
    %swap3A_860 = arith.constant 752 : index
    %swap3A_861 = tpu.vector_load %arg5[%swap3A_860] {strides = array<i32>} : memref<1024xf32, #tpu.memory_space<vmem>>, vector<16xf32>,
    %swap3A_862 = vector.shape_cast %swap3A_861 : vector<16xf32> to vector<16xf32>
    %swap3A_863 = vector.shape_cast %div3A_859 : vector<16xf32> to vector<16xf32>
    tpu.vector_store %arg5[%swap3A_860], %swap3A_863 {strides = array<i32>} : memref<1024xf32, #tpu.memory_space<vmem>>, vector<16xf32>,
    %get3A_864 = arith.constant 768 : index
    %get3A_865 = tpu.vector_load %arg4[%get3A_864] {strides = array<i32>} : memref<1024xf32, #tpu.memory_space<vmem>>, vector<16xf32>,
    %get3A_866 = vector.shape_cast %get3A_865 : vector<16xf32> to vector<16xf32>
    %mul3A_867 = arith.constant 2.000000e+00 : f32
    %mul3A_868 = vector.broadcast %mul3A_867 : f32 to vector<16xf32>
    %mul3A_869 = arith.mulf %get3A_866, %mul3A_868 : vector<16xf32>
    %mul3A_870 = arith.mulf %mul3A_869, %mul3A_869 : vector<16xf32>
    %mul3A_871 = arith.mulf %mul3A_870, %mul3A_870 : vector<16xf32>
    %add3A_872 = arith.constant 1.000000e+00 : f32
    %add3A_873 = vector.broadcast %add3A_872 : f32 to vector<16xf32>
    %add3A_874 = arith.addf %add3A_873, %mul3A_871 : vector<16xf32>
    %div3A_875 = arith.constant 1.000000e+00 : f32
    %div3A_876 = vector.broadcast %div3A_875 : f32 to vector<16xf32>
    %div3A_877 = arith.divf %div3A_876, %add3A_874 : vector<16xf32>
    %swap3A_878 = arith.constant 768 : index
    %swap3A_879 = tpu.vector_load %arg5[%swap3A_878] {strides = array<i32>} : memref<1024xf32, #tpu.memory_space<vmem>>, vector<16xf32>,
    %swap3A_880 = vector.shape_cast %swap3A_879 : vector<16xf32> to vector<16xf32>
    %swap3A_881 = vector.shape_cast %div3A_877 : vector<16xf32> to vector<16xf32>
    tpu.vector_store %arg5[%swap3A_878], %swap3A_881 {strides = array<i32>} : memref<1024xf32, #tpu.memory_space<vmem>>, vector<16xf32>,
    %get3A_882 = arith.constant 784 : index
    %get3A_883 = tpu.vector_load %arg4[%get3A_882] {strides = array<i32>} : memref<1024xf32, #tpu.memory_space<vmem>>, vector<16xf32>,
    %get3A_884 = vector.shape_cast %get3A_883 : vector<16xf32> to vector<16xf32>
    %mul3A_885 = arith.constant 2.000000e+00 : f32
    %mul3A_886 = vector.broadcast %mul3A_885 : f32 to vector<16xf32>
    %mul3A_887 = arith.mulf %get3A_884, %mul3A_886 : vector<16xf32>
    %mul3A_888 = arith.mulf %mul3A_887, %mul3A_887 : vector<16xf32>
    %mul3A_889 = arith.mulf %mul3A_888, %mul3A_888 : vector<16xf32>
    %add3A_890 = arith.constant 1.000000e+00 : f32
    %add3A_891 = vector.broadcast %add3A_890 : f32 to vector<16xf32>
    %add3A_892 = arith.addf %add3A_891, %mul3A_889 : vector<16xf32>
    %div3A_893 = arith.constant 1.000000e+00 : f32
    %div3A_894 = vector.broadcast %div3A_893 : f32 to vector<16xf32>
    %div3A_895 = arith.divf %div3A_894, %add3A_892 : vector<16xf32>
    %swap3A_896 = arith.constant 784 : index
    %swap3A_897 = tpu.vector_load %arg5[%swap3A_896] {strides = array<i32>} : memref<1024xf32, #tpu.memory_space<vmem>>, vector<16xf32>,
    %swap3A_898 = vector.shape_cast %swap3A_897 : vector<16xf32> to vector<16xf32>
    %swap3A_899 = vector.shape_cast %div3A_895 : vector<16xf32> to vector<16xf32>
    tpu.vector_store %arg5[%swap3A_896], %swap3A_899 {strides = array<i32>} : memref<1024xf32, #tpu.memory_space<vmem>>, vector<16xf32>,
    %get3A_900 = arith.constant 800 : index
    %get3A_901 = tpu.vector_load %arg4[%get3A_900] {strides = array<i32>} : memref<1024xf32, #tpu.memory_space<vmem>>, vector<16xf32>,
    %get3A_902 = vector.shape_cast %get3A_901 : vector<16xf32> to vector<16xf32>
    %mul3A_903 = arith.constant 2.000000e+00 : f32
    %mul3A_904 = vector.broadcast %mul3A_903 : f32 to vector<16xf32>
    %mul3A_905 = arith.mulf %get3A_902, %mul3A_904 : vector<16xf32>
    %mul3A_906 = arith.mulf %mul3A_905, %mul3A_905 : vector<16xf32>
    %mul3A_907 = arith.mulf %mul3A_906, %mul3A_906 : vector<16xf32>
    %add3A_908 = arith.constant 1.000000e+00 : f32
    %add3A_909 = vector.broadcast %add3A_908 : f32 to vector<16xf32>
    %add3A_910 = arith.addf %add3A_909, %mul3A_907 : vector<16xf32>
    %div3A_911 = arith.constant 1.000000e+00 : f32
    %div3A_912 = vector.broadcast %div3A_911 : f32 to vector<16xf32>
    %div3A_913 = arith.divf %div3A_912, %add3A_910 : vector<16xf32>
    %swap3A_914 = arith.constant 800 : index
    %swap3A_915 = tpu.vector_load %arg5[%swap3A_914] {strides = array<i32>} : memref<1024xf32, #tpu.memory_space<vmem>>, vector<16xf32>,
    %swap3A_916 = vector.shape_cast %swap3A_915 : vector<16xf32> to vector<16xf32>
    %swap3A_917 = vector.shape_cast %div3A_913 : vector<16xf32> to vector<16xf32>
    tpu.vector_store %arg5[%swap3A_914], %swap3A_917 {strides = array<i32>} : memref<1024xf32, #tpu.memory_space<vmem>>, vector<16xf32>,
    %get3A_918 = arith.constant 816 : index
    %get3A_919 = tpu.vector_load %arg4[%get3A_918] {strides = array<i32>} : memref<1024xf32, #tpu.memory_space<vmem>>, vector<16xf32>,
    %get3A_920 = vector.shape_cast %get3A_919 : vector<16xf32> to vector<16xf32>
    %mul3A_921 = arith.constant 2.000000e+00 : f32
    %mul3A_922 = vector.broadcast %mul3A_921 : f32 to vector<16xf32>
    %mul3A_923 = arith.mulf %get3A_920, %mul3A_922 : vector<16xf32>
    %mul3A_924 = arith.mulf %mul3A_923, %mul3A_923 : vector<16xf32>
    %mul3A_925 = arith.mulf %mul3A_924, %mul3A_924 : vector<16xf32>
    %add3A_926 = arith.constant 1.000000e+00 : f32
    %add3A_927 = vector.broadcast %add3A_926 : f32 to vector<16xf32>
    %add3A_928 = arith.addf %add3A_927, %mul3A_925 : vector<16xf32>
    %div3A_929 = arith.constant 1.000000e+00 : f32
    %div3A_930 = vector.broadcast %div3A_929 : f32 to vector<16xf32>
    %div3A_931 = arith.divf %div3A_930, %add3A_928 : vector<16xf32>
    %swap3A_932 = arith.constant 816 : index
    %swap3A_933 = tpu.vector_load %arg5[%swap3A_932] {strides = array<i32>} : memref<1024xf32, #tpu.memory_space<vmem>>, vector<16xf32>,
    %swap3A_934 = vector.shape_cast %swap3A_933 : vector<16xf32> to vector<16xf32>
    %swap3A_935 = vector.shape_cast %div3A_931 : vector<16xf32> to vector<16xf32>
    tpu.vector_store %arg5[%swap3A_932], %swap3A_935 {strides = array<i32>} : memref<1024xf32, #tpu.memory_space<vmem>>, vector<16xf32>,
    %get3A_936 = arith.constant 832 : index
    %get3A_937 = tpu.vector_load %arg4[%get3A_936] {strides = array<i32>} : memref<1024xf32, #tpu.memory_space<vmem>>, vector<16xf32>,
    %get3A_938 = vector.shape_cast %get3A_937 : vector<16xf32> to vector<16xf32>
    %mul3A_939 = arith.constant 2.000000e+00 : f32
    %mul3A_940 = vector.broadcast %mul3A_939 : f32 to vector<16xf32>
    %mul3A_941 = arith.mulf %get3A_938, %mul3A_940 : vector<16xf32>
    %mul3A_942 = arith.mulf %mul3A_941, %mul3A_941 : vector<16xf32>
    %mul3A_943 = arith.mulf %mul3A_942, %mul3A_942 : vector<16xf32>
    %add3A_944 = arith.constant 1.000000e+00 : f32
    %add3A_945 = vector.broadcast %add3A_944 : f32 to vector<16xf32>
    %add3A_946 = arith.addf %add3A_945, %mul3A_943 : vector<16xf32>
    %div3A_947 = arith.constant 1.000000e+00 : f32
    %div3A_948 = vector.broadcast %div3A_947 : f32 to vector<16xf32>
    %div3A_949 = arith.divf %div3A_948, %add3A_946 : vector<16xf32>
    %swap3A_950 = arith.constant 832 : index
    %swap3A_951 = tpu.vector_load %arg5[%swap3A_950] {strides = array<i32>} : memref<1024xf32, #tpu.memory_space<vmem>>, vector<16xf32>,
    %swap3A_952 = vector.shape_cast %swap3A_951 : vector<16xf32> to vector<16xf32>
    %swap3A_953 = vector.shape_cast %div3A_949 : vector<16xf32> to vector<16xf32>
    tpu.vector_store %arg5[%swap3A_950], %swap3A_953 {strides = array<i32>} : memref<1024xf32, #tpu.memory_space<vmem>>, vector<16xf32>,
    %get3A_954 = arith.constant 848 : index
    %get3A_955 = tpu.vector_load %arg4[%get3A_954] {strides = array<i32>} : memref<1024xf32, #tpu.memory_space<vmem>>, vector<16xf32>,
    %get3A_956 = vector.shape_cast %get3A_955 : vector<16xf32> to vector<16xf32>
    %mul3A_957 = arith.constant 2.000000e+00 : f32
    %mul3A_958 = vector.broadcast %mul3A_957 : f32 to vector<16xf32>
    %mul3A_959 = arith.mulf %get3A_956, %mul3A_958 : vector<16xf32>
    %mul3A_960 = arith.mulf %mul3A_959, %mul3A_959 : vector<16xf32>
    %mul3A_961 = arith.mulf %mul3A_960, %mul3A_960 : vector<16xf32>
    %add3A_962 = arith.constant 1.000000e+00 : f32
    %add3A_963 = vector.broadcast %add3A_962 : f32 to vector<16xf32>
    %add3A_964 = arith.addf %add3A_963, %mul3A_961 : vector<16xf32>
    %div3A_965 = arith.constant 1.000000e+00 : f32
    %div3A_966 = vector.broadcast %div3A_965 : f32 to vector<16xf32>
    %div3A_967 = arith.divf %div3A_966, %add3A_964 : vector<16xf32>
    %swap3A_968 = arith.constant 848 : index
    %swap3A_969 = tpu.vector_load %arg5[%swap3A_968] {strides = array<i32>} : memref<1024xf32, #tpu.memory_space<vmem>>, vector<16xf32>,
    %swap3A_970 = vector.shape_cast %swap3A_969 : vector<16xf32> to vector<16xf32>
    %swap3A_971 = vector.shape_cast %div3A_967 : vector<16xf32> to vector<16xf32>
    tpu.vector_store %arg5[%swap3A_968], %swap3A_971 {strides = array<i32>} : memref<1024xf32, #tpu.memory_space<vmem>>, vector<16xf32>,
    %get3A_972 = arith.constant 864 : index
    %get3A_973 = tpu.vector_load %arg4[%get3A_972] {strides = array<i32>} : memref<1024xf32, #tpu.memory_space<vmem>>, vector<16xf32>,
    %get3A_974 = vector.shape_cast %get3A_973 : vector<16xf32> to vector<16xf32>
    %mul3A_975 = arith.constant 2.000000e+00 : f32
    %mul3A_976 = vector.broadcast %mul3A_975 : f32 to vector<16xf32>
    %mul3A_977 = arith.mulf %get3A_974, %mul3A_976 : vector<16xf32>
    %mul3A_978 = arith.mulf %mul3A_977, %mul3A_977 : vector<16xf32>
    %mul3A_979 = arith.mulf %mul3A_978, %mul3A_978 : vector<16xf32>
    %add3A_980 = arith.constant 1.000000e+00 : f32
    %add3A_981 = vector.broadcast %add3A_980 : f32 to vector<16xf32>
    %add3A_982 = arith.addf %add3A_981, %mul3A_979 : vector<16xf32>
    %div3A_983 = arith.constant 1.000000e+00 : f32
    %div3A_984 = vector.broadcast %div3A_983 : f32 to vector<16xf32>
    %div3A_985 = arith.divf %div3A_984, %add3A_982 : vector<16xf32>
    %swap3A_986 = arith.constant 864 : index
    %swap3A_987 = tpu.vector_load %arg5[%swap3A_986] {strides = array<i32>} : memref<1024xf32, #tpu.memory_space<vmem>>, vector<16xf32>,
    %swap3A_988 = vector.shape_cast %swap3A_987 : vector<16xf32> to vector<16xf32>
    %swap3A_989 = vector.shape_cast %div3A_985 : vector<16xf32> to vector<16xf32>
    tpu.vector_store %arg5[%swap3A_986], %swap3A_989 {strides = array<i32>} : memref<1024xf32, #tpu.memory_space<vmem>>, vector<16xf32>,
    %get3A_990 = arith.constant 880 : index
    %get3A_991 = tpu.vector_load %arg4[%get3A_990] {strides = array<i32>} : memref<1024xf32, #tpu.memory_space<vmem>>, vector<16xf32>,
    %get3A_992 = vector.shape_cast %get3A_991 : vector<16xf32> to vector<16xf32>
    %mul3A_993 = arith.constant 2.000000e+00 : f32
    %mul3A_994 = vector.broadcast %mul3A_993 : f32 to vector<16xf32>
    %mul3A_995 = arith.mulf %get3A_992, %mul3A_994 : vector<16xf32>
    %mul3A_996 = arith.mulf %mul3A_995, %mul3A_995 : vector<16xf32>
    %mul3A_997 = arith.mulf %mul3A_996, %mul3A_996 : vector<16xf32>
    %add3A_998 = arith.constant 1.000000e+00 : f32
    %add3A_999 = vector.broadcast %add3A_998 : f32 to vector<16xf32>
    %add3A_1000 = arith.addf %add3A_999, %mul3A_997 : vector<16xf32>
    %div3A_1001 = arith.constant 1.000000e+00 : f32
    %div3A_1002 = vector.broadcast %div3A_1001 : f32 to vector<16xf32>
    %div3A_1003 = arith.divf %div3A_1002, %add3A_1000 : vector<16xf32>
    %swap3A_1004 = arith.constant 880 : index
    %swap3A_1005 = tpu.vector_load %arg5[%swap3A_1004] {strides = array<i32>} : memref<1024xf32, #tpu.memory_space<vmem>>, vector<16xf32>,
    %swap3A_1006 = vector.shape_cast %swap3A_1005 : vector<16xf32> to vector<16xf32>
    %swap3A_1007 = vector.shape_cast %div3A_1003 : vector<16xf32> to vector<16xf32>
    tpu.vector_store %arg5[%swap3A_1004], %swap3A_1007 {strides = array<i32>} : memref<1024xf32, #tpu.memory_space<vmem>>, vector<16xf32>,
    %get3A_1008 = arith.constant 896 : index
    %get3A_1009 = tpu.vector_load %arg4[%get3A_1008] {strides = array<i32>} : memref<1024xf32, #tpu.memory_space<vmem>>, vector<16xf32>,
    %get3A_1010 = vector.shape_cast %get3A_1009 : vector<16xf32> to vector<16xf32>
    %mul3A_1011 = arith.constant 2.000000e+00 : f32
    %mul3A_1012 = vector.broadcast %mul3A_1011 : f32 to vector<16xf32>
    %mul3A_1013 = arith.mulf %get3A_1010, %mul3A_1012 : vector<16xf32>
    %mul3A_1014 = arith.mulf %mul3A_1013, %mul3A_1013 : vector<16xf32>
    %mul3A_1015 = arith.mulf %mul3A_1014, %mul3A_1014 : vector<16xf32>
    %add3A_1016 = arith.constant 1.000000e+00 : f32
    %add3A_1017 = vector.broadcast %add3A_1016 : f32 to vector<16xf32>
    %add3A_1018 = arith.addf %add3A_1017, %mul3A_1015 : vector<16xf32>
    %div3A_1019 = arith.constant 1.000000e+00 : f32
    %div3A_1020 = vector.broadcast %div3A_1019 : f32 to vector<16xf32>
    %div3A_1021 = arith.divf %div3A_1020, %add3A_1018 : vector<16xf32>
    %swap3A_1022 = arith.constant 896 : index
    %swap3A_1023 = tpu.vector_load %arg5[%swap3A_1022] {strides = array<i32>} : memref<1024xf32, #tpu.memory_space<vmem>>, vector<16xf32>,
    %swap3A_1024 = vector.shape_cast %swap3A_1023 : vector<16xf32> to vector<16xf32>
    %swap3A_1025 = vector.shape_cast %div3A_1021 : vector<16xf32> to vector<16xf32>
    tpu.vector_store %arg5[%swap3A_1022], %swap3A_1025 {strides = array<i32>} : memref<1024xf32, #tpu.memory_space<vmem>>, vector<16xf32>,
    %get3A_1026 = arith.constant 912 : index
    %get3A_1027 = tpu.vector_load %arg4[%get3A_1026] {strides = array<i32>} : memref<1024xf32, #tpu.memory_space<vmem>>, vector<16xf32>,
    %get3A_1028 = vector.shape_cast %get3A_1027 : vector<16xf32> to vector<16xf32>
    %mul3A_1029 = arith.constant 2.000000e+00 : f32
    %mul3A_1030 = vector.broadcast %mul3A_1029 : f32 to vector<16xf32>
    %mul3A_1031 = arith.mulf %get3A_1028, %mul3A_1030 : vector<16xf32>
    %mul3A_1032 = arith.mulf %mul3A_1031, %mul3A_1031 : vector<16xf32>
    %mul3A_1033 = arith.mulf %mul3A_1032, %mul3A_1032 : vector<16xf32>
    %add3A_1034 = arith.constant 1.000000e+00 : f32
    %add3A_1035 = vector.broadcast %add3A_1034 : f32 to vector<16xf32>
    %add3A_1036 = arith.addf %add3A_1035, %mul3A_1033 : vector<16xf32>
    %div3A_1037 = arith.constant 1.000000e+00 : f32
    %div3A_1038 = vector.broadcast %div3A_1037 : f32 to vector<16xf32>
    %div3A_1039 = arith.divf %div3A_1038, %add3A_1036 : vector<16xf32>
    %swap3A_1040 = arith.constant 912 : index
    %swap3A_1041 = tpu.vector_load %arg5[%swap3A_1040] {strides = array<i32>} : memref<1024xf32, #tpu.memory_space<vmem>>, vector<16xf32>,
    %swap3A_1042 = vector.shape_cast %swap3A_1041 : vector<16xf32> to vector<16xf32>
    %swap3A_1043 = vector.shape_cast %div3A_1039 : vector<16xf32> to vector<16xf32>
    tpu.vector_store %arg5[%swap3A_1040], %swap3A_1043 {strides = array<i32>} : memref<1024xf32, #tpu.memory_space<vmem>>, vector<16xf32>,
    %get3A_1044 = arith.constant 928 : index
    %get3A_1045 = tpu.vector_load %arg4[%get3A_1044] {strides = array<i32>} : memref<1024xf32, #tpu.memory_space<vmem>>, vector<16xf32>,
    %get3A_1046 = vector.shape_cast %get3A_1045 : vector<16xf32> to vector<16xf32>
    %mul3A_1047 = arith.constant 2.000000e+00 : f32
    %mul3A_1048 = vector.broadcast %mul3A_1047 : f32 to vector<16xf32>
    %mul3A_1049 = arith.mulf %get3A_1046, %mul3A_1048 : vector<16xf32>
    %mul3A_1050 = arith.mulf %mul3A_1049, %mul3A_1049 : vector<16xf32>
    %mul3A_1051 = arith.mulf %mul3A_1050, %mul3A_1050 : vector<16xf32>
    %add3A_1052 = arith.constant 1.000000e+00 : f32
    %add3A_1053 = vector.broadcast %add3A_1052 : f32 to vector<16xf32>
    %add3A_1054 = arith.addf %add3A_1053, %mul3A_1051 : vector<16xf32>
    %div3A_1055 = arith.constant 1.000000e+00 : f32
    %div3A_1056 = vector.broadcast %div3A_1055 : f32 to vector<16xf32>
    %div3A_1057 = arith.divf %div3A_1056, %add3A_1054 : vector<16xf32>
    %swap3A_1058 = arith.constant 928 : index
    %swap3A_1059 = tpu.vector_load %arg5[%swap3A_1058] {strides = array<i32>} : memref<1024xf32, #tpu.memory_space<vmem>>, vector<16xf32>,
    %swap3A_1060 = vector.shape_cast %swap3A_1059 : vector<16xf32> to vector<16xf32>
    %swap3A_1061 = vector.shape_cast %div3A_1057 : vector<16xf32> to vector<16xf32>
    tpu.vector_store %arg5[%swap3A_1058], %swap3A_1061 {strides = array<i32>} : memref<1024xf32, #tpu.memory_space<vmem>>, vector<16xf32>,
    %get3A_1062 = arith.constant 944 : index
    %get3A_1063 = tpu.vector_load %arg4[%get3A_1062] {strides = array<i32>} : memref<1024xf32, #tpu.memory_space<vmem>>, vector<16xf32>,
    %get3A_1064 = vector.shape_cast %get3A_1063 : vector<16xf32> to vector<16xf32>
    %mul3A_1065 = arith.constant 2.000000e+00 : f32
    %mul3A_1066 = vector.broadcast %mul3A_1065 : f32 to vector<16xf32>
    %mul3A_1067 = arith.mulf %get3A_1064, %mul3A_1066 : vector<16xf32>
    %mul3A_1068 = arith.mulf %mul3A_1067, %mul3A_1067 : vector<16xf32>
    %mul3A_1069 = arith.mulf %mul3A_1068, %mul3A_1068 : vector<16xf32>
    %add3A_1070 = arith.constant 1.000000e+00 : f32
    %add3A_1071 = vector.broadcast %add3A_1070 : f32 to vector<16xf32>
    %add3A_1072 = arith.addf %add3A_1071, %mul3A_1069 : vector<16xf32>
    %div3A_1073 = arith.constant 1.000000e+00 : f32
    %div3A_1074 = vector.broadcast %div3A_1073 : f32 to vector<16xf32>
    %div3A_1075 = arith.divf %div3A_1074, %add3A_1072 : vector<16xf32>
    %swap3A_1076 = arith.constant 944 : index
    %swap3A_1077 = tpu.vector_load %arg5[%swap3A_1076] {strides = array<i32>} : memref<1024xf32, #tpu.memory_space<vmem>>, vector<16xf32>,
    %swap3A_1078 = vector.shape_cast %swap3A_1077 : vector<16xf32> to vector<16xf32>
    %swap3A_1079 = vector.shape_cast %div3A_1075 : vector<16xf32> to vector<16xf32>
    tpu.vector_store %arg5[%swap3A_1076], %swap3A_1079 {strides = array<i32>} : memref<1024xf32, #tpu.memory_space<vmem>>, vector<16xf32>,
    %get3A_1080 = arith.constant 960 : index
    %get3A_1081 = tpu.vector_load %arg4[%get3A_1080] {strides = array<i32>} : memref<1024xf32, #tpu.memory_space<vmem>>, vector<16xf32>,
    %get3A_1082 = vector.shape_cast %get3A_1081 : vector<16xf32> to vector<16xf32>
    %mul3A_1083 = arith.constant 2.000000e+00 : f32
    %mul3A_1084 = vector.broadcast %mul3A_1083 : f32 to vector<16xf32>
    %mul3A_1085 = arith.mulf %get3A_1082, %mul3A_1084 : vector<16xf32>
    %mul3A_1086 = arith.mulf %mul3A_1085, %mul3A_1085 : vector<16xf32>
    %mul3A_1087 = arith.mulf %mul3A_1086, %mul3A_1086 : vector<16xf32>
    %add3A_1088 = arith.constant 1.000000e+00 : f32
    %add3A_1089 = vector.broadcast %add3A_1088 : f32 to vector<16xf32>
    %add3A_1090 = arith.addf %add3A_1089, %mul3A_1087 : vector<16xf32>
    %div3A_1091 = arith.constant 1.000000e+00 : f32
    %div3A_1092 = vector.broadcast %div3A_1091 : f32 to vector<16xf32>
    %div3A_1093 = arith.divf %div3A_1092, %add3A_1090 : vector<16xf32>
    %swap3A_1094 = arith.constant 960 : index
    %swap3A_1095 = tpu.vector_load %arg5[%swap3A_1094] {strides = array<i32>} : memref<1024xf32, #tpu.memory_space<vmem>>, vector<16xf32>,
    %swap3A_1096 = vector.shape_cast %swap3A_1095 : vector<16xf32> to vector<16xf32>
    %swap3A_1097 = vector.shape_cast %div3A_1093 : vector<16xf32> to vector<16xf32>
    tpu.vector_store %arg5[%swap3A_1094], %swap3A_1097 {strides = array<i32>} : memref<1024xf32, #tpu.memory_space<vmem>>, vector<16xf32>,
    %get3A_1098 = arith.constant 976 : index
    %get3A_1099 = tpu.vector_load %arg4[%get3A_1098] {strides = array<i32>} : memref<1024xf32, #tpu.memory_space<vmem>>, vector<16xf32>,
    %get3A_1100 = vector.shape_cast %get3A_1099 : vector<16xf32> to vector<16xf32>
    %mul3A_1101 = arith.constant 2.000000e+00 : f32
    %mul3A_1102 = vector.broadcast %mul3A_1101 : f32 to vector<16xf32>
    %mul3A_1103 = arith.mulf %get3A_1100, %mul3A_1102 : vector<16xf32>
    %mul3A_1104 = arith.mulf %mul3A_1103, %mul3A_1103 : vector<16xf32>
    %mul3A_1105 = arith.mulf %mul3A_1104, %mul3A_1104 : vector<16xf32>
    %add3A_1106 = arith.constant 1.000000e+00 : f32
    %add3A_1107 = vector.broadcast %add3A_1106 : f32 to vector<16xf32>
    %add3A_1108 = arith.addf %add3A_1107, %mul3A_1105 : vector<16xf32>
    %div3A_1109 = arith.constant 1.000000e+00 : f32
    %div3A_1110 = vector.broadcast %div3A_1109 : f32 to vector<16xf32>
    %div3A_1111 = arith.divf %div3A_1110, %add3A_1108 : vector<16xf32>
    %swap3A_1112 = arith.constant 976 : index
    %swap3A_1113 = tpu.vector_load %arg5[%swap3A_1112] {strides = array<i32>} : memref<1024xf32, #tpu.memory_space<vmem>>, vector<16xf32>,
    %swap3A_1114 = vector.shape_cast %swap3A_1113 : vector<16xf32> to vector<16xf32>
    %swap3A_1115 = vector.shape_cast %div3A_1111 : vector<16xf32> to vector<16xf32>
    tpu.vector_store %arg5[%swap3A_1112], %swap3A_1115 {strides = array<i32>} : memref<1024xf32, #tpu.memory_space<vmem>>, vector<16xf32>,
    %get3A_1116 = arith.constant 992 : index
    %get3A_1117 = tpu.vector_load %arg4[%get3A_1116] {strides = array<i32>} : memref<1024xf32, #tpu.memory_space<vmem>>, vector<16xf32>,
    %get3A_1118 = vector.shape_cast %get3A_1117 : vector<16xf32> to vector<16xf32>
    %mul3A_1119 = arith.constant 2.000000e+00 : f32
    %mul3A_1120 = vector.broadcast %mul3A_1119 : f32 to vector<16xf32>
    %mul3A_1121 = arith.mulf %get3A_1118, %mul3A_1120 : vector<16xf32>
    %mul3A_1122 = arith.mulf %mul3A_1121, %mul3A_1121 : vector<16xf32>
    %mul3A_1123 = arith.mulf %mul3A_1122, %mul3A_1122 : vector<16xf32>
    %add3A_1124 = arith.constant 1.000000e+00 : f32
    %add3A_1125 = vector.broadcast %add3A_1124 : f32 to vector<16xf32>
    %add3A_1126 = arith.addf %add3A_1125, %mul3A_1123 : vector<16xf32>
    %div3A_1127 = arith.constant 1.000000e+00 : f32
    %div3A_1128 = vector.broadcast %div3A_1127 : f32 to vector<16xf32>
    %div3A_1129 = arith.divf %div3A_1128, %add3A_1126 : vector<16xf32>
    %swap3A_1130 = arith.constant 992 : index
    %swap3A_1131 = tpu.vector_load %arg5[%swap3A_1130] {strides = array<i32>} : memref<1024xf32, #tpu.memory_space<vmem>>, vector<16xf32>,
    %swap3A_1132 = vector.shape_cast %swap3A_1131 : vector<16xf32> to vector<16xf32>
    %swap3A_1133 = vector.shape_cast %div3A_1129 : vector<16xf32> to vector<16xf32>
    tpu.vector_store %arg5[%swap3A_1130], %swap3A_1133 {strides = array<i32>} : memref<1024xf32, #tpu.memory_space<vmem>>, vector<16xf32>,
    %get3A_1134 = arith.constant 1008 : index
    %get3A_1135 = tpu.vector_load %arg4[%get3A_1134] {strides = array<i32>} : memref<1024xf32, #tpu.memory_space<vmem>>, vector<16xf32>,
    %get3A_1136 = vector.shape_cast %get3A_1135 : vector<16xf32> to vector<16xf32>
    %mul3A_1137 = arith.constant 2.000000e+00 : f32
    %mul3A_1138 = vector.broadcast %mul3A_1137 : f32 to vector<16xf32>
    %mul3A_1139 = arith.mulf %get3A_1136, %mul3A_1138 : vector<16xf32>
    %mul3A_1140 = arith.mulf %mul3A_1139, %mul3A_1139 : vector<16xf32>
    %mul3A_1141 = arith.mulf %mul3A_1140, %mul3A_1140 : vector<16xf32>
    %add3A_1142 = arith.constant 1.000000e+00 : f32
    %add3A_1143 = vector.broadcast %add3A_1142 : f32 to vector<16xf32>
    %add3A_1144 = arith.addf %add3A_1143, %mul3A_1141 : vector<16xf32>
    %div3A_1145 = arith.constant 1.000000e+00 : f32
    %div3A_1146 = vector.broadcast %div3A_1145 : f32 to vector<16xf32>
    %div3A_1147 = arith.divf %div3A_1146, %add3A_1144 : vector<16xf32>
    %swap3A_1148 = arith.constant 1008 : index
    %swap3A_1149 = tpu.vector_load %arg5[%swap3A_1148] {strides = array<i32>} : memref<1024xf32, #tpu.memory_space<vmem>>, vector<16xf32>,
    %swap3A_1150 = vector.shape_cast %swap3A_1149 : vector<16xf32> to vector<16xf32>
    %swap3A_1151 = vector.shape_cast %div3A_1147 : vector<16xf32> to vector<16xf32>
    tpu.vector_store %arg5[%swap3A_1148], %swap3A_1151 {strides = array<i32>} : memref<1024xf32, #tpu.memory_space<vmem>>, vector<16xf32>,
    "tpu.region"() ({
      %run_scoped3A = tpu.sem_alloc : memref<!tpu.dma_semaphore, #tpu.memory_space<semaphore_mem>>
      %dma_start3A = tpu.memref_slice %arg3[%mul3A_2] : memref<32768xf32, #tpu.memory_space<hbm>> -> memref<1024xf32, #tpu.memory_space<hbm>>
      %dma_start3A_1152 = tpu.memref_slice %arg3[%mul3A_2] : memref<32768xf32, #tpu.memory_space<hbm>> -> memref<1024xf32, #tpu.memory_space<hbm>>
      tpu.enqueue_dma source(%arg5 : memref<1024xf32, #tpu.memory_space<vmem>>) target(%dma_start3A_1152 : memref<1024xf32, #tpu.memory_space<hbm>>) target_semaphore(%run_scoped3A : memref<!tpu.dma_semaphore, #tpu.memory_space<semaphore_mem>>)
      %dma_wait3A = tpu.memref_slice %arg3[%mul3A_2] : memref<32768xf32, #tpu.memory_space<hbm>> -> memref<1024xf32, #tpu.memory_space<hbm>>
      %dma_wait3A_1153 = tpu.memref_slice %arg3[%mul3A_2] : memref<32768xf32, #tpu.memory_space<hbm>> -> memref<1024xf32, #tpu.memory_space<hbm>>
      tpu.wait_dma2 semaphore(%run_scoped3A : memref<!tpu.dma_semaphore, #tpu.memory_space<semaphore_mem>>) src(%arg5 : memref<1024xf32, #tpu.memory_space<vmem>>) dst(%dma_wait3A_1153 : memref<1024xf32, #tpu.memory_space<hbm>>)
      tpu.yield
    }) : () -> ()
    return
  }
}

module attributes {stable_mosaic.version = 14 : i64} {
  func.func @_tc_body(%arg0: i32, %arg1: memref<512x8xf32, #tpu.memory_space<vmem>>, %arg2: memref<512x768xf32, #tpu.memory_space<vmem>>, %arg3: memref<512x8x768xf32, #tpu.memory_space<vmem>>) attributes {dimension_semantics = [#tpu.dimension_semantics<arbitrary>], iteration_bounds = array<i64: 8>, scalar_prefetch = 0 : i64, scratch_operands = 0 : i64, tpu.core_type = #tpu.core_type<tc>, window_params = [{transform_indices = @transform_0, window_bounds = array<i64: 512, 8>}, {transform_indices = @transform_1, window_bounds = array<i64: 512, 768>}, {transform_indices = @transform_2, window_bounds = array<i64: 512, 8, 768>}]} {
    %get3A = arith.constant 0 : index
    %get3A_0 = arith.constant 0 : index
    %get3A_1 = vector.load %arg1[%get3A, %get3A_0] : memref<512x8xf32, #tpu.memory_space<vmem>>, vector<512x8xf32>
    %mul3A = arith.constant 2.000000e+00 : f32
    %mul3A_2 = vector.broadcast %mul3A : f32 to vector<512x8xf32>
    %mul3A_3 = arith.mulf %get3A_1, %mul3A_2 : vector<512x8xf32>
    %mul3A_4 = arith.mulf %mul3A_3, %mul3A_3 : vector<512x8xf32>
    %mul3A_5 = arith.mulf %mul3A_4, %mul3A_4 : vector<512x8xf32>
    %add3A = arith.constant 1.000000e+00 : f32
    %add3A_6 = vector.broadcast %add3A : f32 to vector<512x8xf32>
    %add3A_7 = arith.addf %add3A_6, %mul3A_5 : vector<512x8xf32>
    %div3A = arith.constant 1.000000e+00 : f32
    %div3A_8 = vector.broadcast %div3A : f32 to vector<512x8xf32>
    %div3A_9 = arith.divf %div3A_8, %add3A_7 : vector<512x8xf32>
    %ge3A = arith.constant 5.000000e-01 : f32
    %ge3A_10 = vector.broadcast %ge3A : f32 to vector<512x8xf32>
    %ge3A_11 = arith.cmpf oge, %div3A_9, %ge3A_10 : vector<512x8xf32>
    %jit3A = arith.constant 0.000000e+00 : f32
    %broadcast_in_dim3A = vector.broadcast %jit3A : f32 to vector<512x8xf32>
    %select_n3A = arith.select %ge3A_11, %div3A_9, %broadcast_in_dim3A : vector<512x8xi1>, vector<512x8xf32>
    %get3A_12 = arith.constant 0 : index
    %get3A_13 = arith.constant 0 : index
    %get3A_14 = vector.load %arg2[%get3A_12, %get3A_13] : memref<512x768xf32, #tpu.memory_space<vmem>>, vector<512x768xf32>
    %broadcast_in_dim3A_15 = vector.shape_cast %select_n3A : vector<512x8xf32> to vector<512x8x1xf32>
    %broadcast_in_dim3A_16 = vector.shape_cast %get3A_14 : vector<512x768xf32> to vector<512x1x768xf32>
    %mul3A_17 = vector.broadcast %broadcast_in_dim3A_15 : vector<512x8x1xf32> to vector<512x8x768xf32>
    %mul3A_18 = vector.broadcast %broadcast_in_dim3A_16 : vector<512x1x768xf32> to vector<512x8x768xf32>
    %mul3A_19 = arith.mulf %mul3A_17, %mul3A_18 : vector<512x8x768xf32>
    %swap3A = arith.constant 0 : index
    %swap3A_20 = arith.constant 0 : index
    %swap3A_21 = arith.constant 0 : index
    %swap3A_22 = vector.load %arg3[%swap3A, %swap3A_20, %swap3A_21] : memref<512x8x768xf32, #tpu.memory_space<vmem>>, vector<512x8x768xf32>
    tpu.vector_store %arg3[%swap3A, %swap3A_20, %swap3A_21], %mul3A_19 {strides = array<i32>} : memref<512x8x768xf32, #tpu.memory_space<vmem>>, vector<512x8x768xf32>,
    return
  }
  func.func @transform_0(%arg0: i32) -> (i32, i32) {
    %c0_i32 = arith.constant 0 : i32
    %c0_i32_0 = arith.constant 0 : i32
    return %arg0, %c0_i32 : i32, i32
  }
  func.func @transform_1(%arg0: i32) -> (i32, i32) {
    %c0_i32 = arith.constant 0 : i32
    %c0_i32_0 = arith.constant 0 : i32
    return %arg0, %c0_i32 : i32, i32
  }
  func.func @transform_2(%arg0: i32) -> (i32, i32, i32) {
    %c0_i32 = arith.constant 0 : i32
    %c0_i32_0 = arith.constant 0 : i32
    %c0_i32_1 = arith.constant 0 : i32
    return %arg0, %c0_i32, %c0_i32_0 : i32, i32, i32
  }
}

</mosaic_0001>

<sc_bundles>
// kernel: kernel.4.cloned.1.call-start
scs
__scs_entry_jumppad:
0x0: {  	(pc) =	sbr.rel $0x88, $3  }
0x1: {  	(tag) =	ssettag $0x0;
	lr =	simm.s32 $0x1  }
0x2: {  	[smem:$0x3F9F] =	sst lr;
	_ =	strace $0xD0000000  }
0x3: {  	_ = 	snop  }
0x4: {  	_ = 	snop  }
0x5: {  	_ = 	snop  }
0x6: {  	_ = 	snop  }
0x7: {  	_ = 	snop  }
__scs_overlays_trampoline_lowered:
0x8: {  	[smem:$0x3FAE] =	sst s0  }
0x9: {  	[smem:$0x3FAF] =	sst s1  }
0xa: {  	[smem:$0x3FB0] =	sst s2  }
0xb: {  	[smem:$0x3FB1] =	sst s3  }
0xc: {  	[smem:$0x3FB2] =	sst s4  }
0xd: {  	[smem:$0x3FB3] =	sst s5  }
0xe: {  	[smem:$0x3FB4] =	sst s6  }
0xf: {  	[smem:$0x3FB5] =	sst s7  }
0x10: {  	[smem:$0x3FB6] =	sst s8  }
0x11: {  	[smem:$0x3FB7] =	sst s9;
	s0 =	simm.s32 @!p0 $0x0  }
0x12: {  	s1 =	sld [smem:$0x3F9D];
	s0 =	simm.s32 @p0 $0x1  }
0x13: {  	[smem:$0x3FB8] =	sst s0;
	s0 =	simm.s32 @!p1 $0x0  }
0x14: {  	s2 =	sld [smem:$0x3F9C];
	s0 =	simm.s32 @p1 $0x1  }
0x15: {  	[smem:$0x3FB9] =	sst s0;
	s0 =	simm.s32 @!p2 $0x0  }
0x16: {  	s3 =	sld [smem:$0x3FDB];
	s0 =	simm.s32 @p2 $0x1  }
0x17: {  	s4 =	simm.s32 $0x1BF5;
	[smem:$0x3FBB] =	sst s0  }
0x18: {  	s0 =	sld [smem:$0x3F9E];
	_ =	swait.ge [sflag:s4], $0x0  }
0x19: {  	s7 =	sld [smem:$0x3F9F]  }
0x1a: {  	s8 =	sadd.s32 $0xFFFFE003, lr  }
0x1b: {  	s9 =	sadd.s32 $0xFFFFFEF7, lr;
	s5 =	simm.s32 $0xFFFFFFFF;
	p2 =	slt.u32 s8, $0xFFFFF086  }
0x1c: {  	p1 =	slt.u32 s9, $0xF7A;
	s5 =	simm.s32 @!p2 $0x0  }
0x1d: {  	s5 =	simm.s32 @p1 $0x1;
	p0 =	seq.s32 s7, s2  }
0x1e: {  	s7 =	smul.u32 @!p0 $0xF7A, s2;
	p2 =	seq.s32 @!p0 s5, $0x0  }
0x1f: {  	s9 =	smul.u32 $0xF7A, s1;
	s8 =	simm.s32 @!p0 $0x1BF5;
	p2 =	por !p2, p0  }
0x20: {  	[sflag:s8] =	ssyncset.s32 @!p0 $0xFFFFF086;
	s6 =	sadd.s32 @!p0 s3, s7;
	s7 =	simm.s32 @!p0 $0x108  }
0x21: {  	s3 =	sadd.s32 s3, s9;
	s6 =	sadd.s32 @!p0 $0x88, s6;
	s7 =	simm.s32 @p2 $0x1082  }
0x22: {  	[simem:s7], [sflag:s8] =	dma.local @!p0 [hbm:s6], $0xF7A  }
0x23: {  	s9 =	sor.u32 $0xD0000000, s2;
	s6 =	simm.s32 $0x108;
	_ =	swait.ge @!p0 [sflag:s8], $0x0  }
0x24: {  	s3 =	sadd.s32 $0x88, s3;
	s6 =	simm.s32 @!p1 $0x1082;
	[sflag:s4] =	ssyncset.s32 $0xFFFFF086  }
0x25: {  	[simem:s6], [sflag:s4] =	dma.local [hbm:s3], $0xF7A  }
0x26: {  	[smem:$0x3F9F] =	sst s1;
	(tag) =	ssettag s2;
	_ =	strace s9  }
0x27: {  	s1 =	sld [smem:$0x3FAF]  }
0x28: {  	s2 =	sld [smem:$0x3FB0]  }
0x29: {  	s4 =	sld [smem:$0x3FB2]  }
0x2a: {  	p0 =	seq.s32 s5, $0x0;
	s5 =	sld [smem:$0x3FB3]  }
0x2b: {  	s6 =	sld [smem:$0x3FB4]  }
0x2c: {  	s7 =	sld [smem:$0x3FB5]  }
0x2d: {  	s3 =	simm.s32 $0x108;
	s8 =	sld [smem:$0x3FB6]  }
0x2e: {  	s3 =	simm.s32 @!p0 $0x1082;
	s9 =	sld [smem:$0x3FB7]  }
0x2f: {  	lr =	sadd.s32 s0, s3;
	s0 =	sld [smem:$0x3FAE]  }
0x30: {  	s3 =	sld [smem:$0x3FB1]  }
0x31: {  	[smem:$0x3FBA] =	sst s10  }
0x32: {  	s10 =	sld [smem:$0x3FB8];
	_ =	sdelay $0x3  }
0x33: {  	p0 =	seq.s32 s10, $0x1;
	s10 =	sld [smem:$0x3FBA];
	_ =	sdelay $0x3  }
0x34: {  	[smem:$0x3FBA] =	sst s10  }
0x35: {  	s10 =	sld [smem:$0x3FB9];
	_ =	sdelay $0x3  }
0x36: {  	p1 =	seq.s32 s10, $0x1;
	s10 =	sld [smem:$0x3FBA];
	_ =	sdelay $0x3  }
0x37: {  	[smem:$0x3FBA] =	sst s10  }
0x38: {  	s10 =	sld [smem:$0x3FBB]  }
0x39: {  	_ = 	snop;
	(pc) =	sbr.ind lr, $3  }
0x3a: {  	_ = 	snop  }
0x3b: {  	_ = 	snop  }
0x3c: {  	p2 =	seq.s32 s10, $0x1;
	s10 =	sld [smem:$0x3FBA]  }
0x3d: {  	_ =	shalt  }
0x3e: {  	_ =	shalt  }
0x3f: {  	_ =	shalt  }
0x40: {  	_ =	shalt  }
0x41: {  	_ =	shalt  }
0x42: {  	_ =	shalt  }
0x43: {  	_ =	shalt  }
0x44: {  	_ =	shalt  }
0x45: {  	_ =	shalt  }
0x46: {  	_ =	shalt  }
0x47: {  	_ =	shalt  }
0x48: {  	_ =	shalt  }
0x49: {  	_ =	shalt  }
0x4a: {  	_ =	shalt  }
0x4b: {  	_ =	shalt  }
0x4c: {  	_ =	shalt  }
0x4d: {  	_ =	shalt  }
0x4e: {  	_ =	shalt  }
0x4f: {  	_ =	shalt  }
0x50: {  	_ =	shalt  }
0x51: {  	_ =	shalt  }
0x52: {  	_ =	shalt  }
0x53: {  	_ =	shalt  }
0x54: {  	_ =	shalt  }
0x55: {  	_ =	shalt  }
0x56: {  	_ =	shalt  }
0x57: {  	_ =	shalt  }
0x58: {  	_ =	shalt  }
0x59: {  	_ =	shalt  }
0x5a: {  	_ =	shalt  }
0x5b: {  	_ =	shalt  }
0x5c: {  	_ =	shalt  }
0x5d: {  	_ =	shalt  }
0x5e: {  	_ =	shalt  }
0x5f: {  	_ =	shalt  }
0x60: {  	_ =	shalt  }
0x61: {  	_ =	shalt  }
0x62: {  	_ =	shalt  }
0x63: {  	_ =	shalt  }
0x64: {  	_ =	shalt  }
0x65: {  	_ =	shalt  }
0x66: {  	_ =	shalt  }
0x67: {  	_ =	shalt  }
0x68: {  	_ =	shalt  }
0x69: {  	_ =	shalt  }
0x6a: {  	_ =	shalt  }
0x6b: {  	_ =	shalt  }
0x6c: {  	_ =	shalt  }
0x6d: {  	_ =	shalt  }
0x6e: {  	_ =	shalt  }
0x6f: {  	_ =	shalt  }
0x70: {  	_ =	shalt  }
0x71: {  	_ =	shalt  }
0x72: {  	_ =	shalt  }
0x73: {  	_ =	shalt  }
0x74: {  	_ =	shalt  }
0x75: {  	_ =	shalt  }
0x76: {  	_ =	shalt  }
0x77: {  	_ =	shalt  }
0x78: {  	_ =	shalt  }
0x79: {  	_ =	shalt  }
0x7a: {  	_ =	shalt  }
0x7b: {  	_ =	shalt  }
0x7c: {  	_ =	shalt  }
0x7d: {  	_ =	shalt  }
0x7e: {  	_ =	shalt  }
0x7f: {  	_ =	shalt  }
0x80: {  	_ =	shalt  }
0x81: {  	_ =	shalt  }
0x82: {  	_ =	shalt  }
0x83: {  	_ =	shalt  }
0x84: {  	_ =	shalt  }
0x85: {  	_ =	shalt  }
0x86: {  	_ =	shalt  }
0x87: {  	_ =	shalt  }
.Lfunc_end0:
.L_simem_size_0:
called_computation_lowered:
.L_overlay_start_0:
0x88: {  	s2 =	sld [smem:$0x3FD9]  }
0x89: {  	s3 =	sld [smem:$0x3FFE];
	_ =	sdelay $0x1  }
0x8a: {  	s1 =	srdreg.scid  }
0x8b: {  	s0 =	sand.u32 $0x1, s1  }
0x8c: {  	s14 =	sshll.u32 s0, $0xA;
	s2 =	sadd.s32 s3, s2  }
0x8d: {  	s2 =	sadd.s32 s2, s14  }
0x8e: {  	[smem:$0x3FC6] =	sst s2  }
0x8f: {  	_ = 	snop  }
0x90: {  	s2 =	sld [smem:$0x3FD0];
	_ =	sdelay $0x2  }
0x91: {  	s15 =	simm.s32 $0xA;
	s4 =	simm.s32 $0x10  }
0x92: {  	[smem:s4], [sflag:s15] =	dma.local [hbm:s2], $0x1  }
0x93: {  	_ =	swait.eq [sflag:s15], $0x1  }
0x94: {  	[sflag:s15] =	ssyncset.done $0x0  }
0x95: {  	[sflag:s15] =	ssyncadd.s32 $0xFFFFFFFF  }
0x96: {  	s16 =	sld [smem:$0x10];
	(tm) =	ssettm $0x1  }
0x97: {  	s17 =	sld [smem:$0x3FFB];
	_ =	sdelay $0x3  }
0x98: {  	_ =	strace s17  }
0x99: {  	s3 =	sld [smem:$0x3FFC];
	_ =	sdelay $0x3  }
0x9a: {  	_ =	strace s3  }
0x9b: {  	s3 =	sld [smem:$0x3FFD];
	_ =	sdelay $0x3  }
0x9c: {  	_ =	strace s3  }
0x9d: {  	_ =	strace $0x8FFFFFFF  }
0x9e: {  	s18 =	sld [smem:$0x3FDB];
	_ =	sdelay $0x1  }
0x9f: {  	s19 =	simm.s32 $_scs_section_size  }
0xa0: {  	s5 =	simm.s32 $_size__tile_overlayer_lowered;
	s6 =	simm.s32 $_tile_overlayer_lowered  }
0xa1: {  	s22 =	simm.s32 $0x1BFF;
	s21 =	sshll.u32 s6, $0x1;
	s3 =	sadd.s32 s19, s18  }
0xa2: {  	s7 =	simm.s32 $0x0;
	s20 =	sshll.u32 s5, $0x1;
	s5 =	sadd.s32 s21, s3  }
0xa3: {  	[timem:s7], [sflag:s22] =	dma.local [hbm:s5], s20  }
0xa4: {  	_ =	swait.ge [sflag:s22], s20  }
0xa5: {  	s4 =	ssub.s32 $0x0, s20;
	[sflag:s22] =	ssyncset.done $0x0  }
0xa6: {  	[sflag:s22] =	ssyncadd.s32 s4;
	_ =	sdelay $0x1  }
0xa7: {  	s23 =	simm.s32 $0x1B8B  }
0xa8: {  	_ =	swait.ge [sflag:s23], $0x1  }
0xa9: {  	[sflag:s23] =	ssyncset.done $0x0  }
0xaa: {  	s25 =	simm.s32 $0x1B8E;
	s24 =	sld [smem:$0x3FFE];
	[sflag:s23] =	ssyncadd.s32 $0xFFFFFFFF  }
0xab: {  	s26 =	simm.s32 $execute0_lowered;
	[smem:$0x3FD2] =	sst s25  }
0xac: {  	s5 =	sshll.u32 s26, $0x1;
	_ =	strace $0x80000046;
	[dreg:$0x1] =	wrdreg $0xFFFFFFFF  }
0xad: {  	s28 =	simm.s32 $_size_execute0_lowered;
	s3 =	sadd.s32 s3, s5;
	[dreg:$0x0] =	wrdreg $0x0  }
0xae: {  	s5 =	sshll.u32 s28, $0x1;
	[dreg:$0x2] =	wrdreg s3  }
0xaf: {  	[dreg:$0x3] =	wrdreg s5  }
0xb0: {  	[dreg:$0x4] =	wrdreg $0xC0  }
0xb1: {  	_ =	task [dreg:s7], $0x5FFFF  }
0xb2: {  	[dreg:$0x1] =	wrdreg $0xFFFFFFFF  }
0xb3: {  	[dreg:$0x0] =	wrdreg $0x60  }
0xb4: {  	[dreg:$0x2] =	wrdreg s16  }
0xb5: {  	[dreg:$0x3] =	wrdreg s24  }
0xb6: {  	[dreg:$0x4] =	wrdreg $0x9  }
0xb7: {  	_ =	task.clear_ibuf [dreg:s7], $0x5FFFF;
	_ =	strace $0x90000046  }
0xb8: {  	s29 =	simm.s32 $0x9;
	_ =	strace $0x80000048  }
0xb9: {  	_ =	swait.ge [sflag:s29], $0x1  }
0xba: {  	[sflag:s29] =	ssyncadd.s32 $0xFFFFFFFF  }
0xbb: {  	_ =	strace $0x90000048  }
0xbc: {  	_ =	sfence  }
0xbd: {  	s30 =	sld [smem:$0x0];
	_ =	sdelay $0x2  }
0xbe: {  	s31 =	sshll.u32 s1, $0xD;
	s1 =	sshrl.u32 s1, $0x2  }
0xbf: {  	s3 =	sand.u32 $0x4000, s31;
	s1 =	sadd.s32 s1, s30  }
0xc0: {  	s0 =	sor.u32 s3, s0;
	s1 =	sshll.u32 s1, $0x11  }
0xc1: {  	s0 =	sor.u32 s1, s0  }
0xc2: {  	s0 =	sadd.s32 $0x8F2B, s0  }
0xc3: {  	[sflag:s0] =	ssyncadd.remote.s32 $0x1  }
0xc4: {  	_ =	sfence.sel $0xFFFF  }
0xc5: {  	[dreg:$0x0] =	wrdreg $0xFFFFFFFF;
	(pc) =	sbr.abs _section_cstart, $3  }
0xc6: {  	[dreg:$0x1] =	wrdreg $0xFFFFFFFF  }
0xc7: {  	_ =	task.clear_ibuf [dreg:s7], $0x2FFFF;
	_ =	strace $0x9FFFFFFF  }
0xc8: {  	(tm) =	ssettm $0x7FFFFFFF  }
0xc9: {  	_ =	shalt  }
tec
execute0_lowered:
.L_overlay_start_1:
0x0: {  	(tag) =	ssettag $0x1  }
0x1: {  	s3 =	rddreg [dreg:$0x0]  }
0x2: {  	s4 =	rddreg [dreg:$0x1];
	s2 =	srdreg.scid  }
0x3: {  	s0 =	rddreg [dreg:$0x2];
	s1 =	stileid.u32;
	s5 =	sand.u32 $0x1, s2  }
0x4: {  	s2 =	simm.s32 $0x0;
	s6 =	sshll.u32 s1, $0x8;
	s7 =	sshll.u32 s5, $0x7  }
0x5: {  	[smem:$0x7FF] =	sst s2;
	s5 =	ssub.s32 $0x2, s5;
	s6 =	sor.u32 s7, s6  }
0x6: {  	_ =	strace $0x80000047;
	s31 =	sshrl.u32 s5, $0x1;
	s7 =	simm.s32 $0x400  }
0x7: {  	s4 =	sadd.s32 s6, s4;
	s5 =	ssub.s32 s5, s31;
	s3 =	sadd.s32 s3, s6  }
0x8: {  	s6 =	simm.s32 $0x1;
	s4 =	sadd.s32 $0x600, s4;
	s5 =	smax.u32 s5, $0x1  }
.LBB2_1:
0x9: {  	[tilespmem:s2], [sflag:$0x1] =	stream.linear.gather [hbm4b:s3+s2], $0x400, $0x38;
	[tilespmem:$0x800] =	vst v63  }
0xa: {  	_ =	swait.ge [sflag:s6], $0x400  }
0xb: {  	[sflag:s6] =	ssyncset.done $0x0  }
0xc: {  	[sflag:s6] =	ssyncadd.s32 $0xFFFFFC00  }
0xd: {  	v0 =	vld [tilespmem:$0x0]  }
0xe: {  	v1 =	vld [tilespmem:$0x10]  }
0xf: {  	v2 =	vld [tilespmem:$0x20]  }
0x10: {  	v3 =	vld [tilespmem:$0x30]  }
0x11: {  	v4 =	vld [tilespmem:$0x40]  }
0x12: {  	v5 =	vld [tilespmem:$0x50]  }
0x13: {  	v6 =	vld [tilespmem:$0x60]  }
0x14: {  	v7 =	vld [tilespmem:$0x70]  }
0x15: {  	v8 =	vld [tilespmem:$0x80]  }
0x16: {  	v19 =	vld [tilespmem:$0x90]  }
0x17: {  	v27 =	vld [tilespmem:$0xA0]  }
0x18: {  	v28 =	vld [tilespmem:$0xB0]  }
0x19: {  	v29 =	vld [tilespmem:$0xC0];
	v0 =	vadd.f32 v0, v0  }
0x1a: {  	v32 =	vld [tilespmem:$0xD0];
	v1 =	vadd.f32 v1, v1;
	v2 =	vadd.f32 v2, v2  }
0x1b: {  	v38 =	vld [tilespmem:$0xF0];
	v3 =	vadd.f32 v3, v3;
	v18 =	vadd.f32 v4, v4  }
0x1c: {  	v46 =	vld [tilespmem:$0x100];
	v21 =	vadd.f32 v5, v5;
	v23 =	vadd.f32 v6, v6  }
0x1d: {  	v47 =	vld [tilespmem:$0x110];
	v25 =	vadd.f32 v7, v7;
	v26 =	vadd.f32 v8, v8  }
0x1e: {  	v9 =	vld [tilespmem:$0x120];
	v4 =	vadd.f32 v19, v19;
	v37 =	vadd.f32 v27, v27  }
0x1f: {  	v10 =	vld [tilespmem:$0x140];
	v40 =	vadd.f32 v28, v28;
	v42 =	vadd.f32 v29, v29  }
0x20: {  	v12 =	vld [tilespmem:$0x150];
	v44 =	vadd.f32 v32, v32;
	v45 =	vadd.f32 v38, v38;
	v0 =	vmul.f32 v0, v0  }
0x21: {  	v61 =	vld [tilespmem:$0x190];
	v6 =	vadd.f32 v46, v46;
	v1 =	vmul.f32 v1, v1;
	v2 =	vmul.f32 v2, v2  }
0x22: {  	v63 =	vld [tilespmem:$0x1A0];
	v7 =	vadd.f32 v47, v47;
	v3 =	vmul.f32 v3, v3;
	v22 =	vmul.f32 v18, v18  }
0x23: {  	v57 =	vld [tilespmem:$0x160];
	v52 =	vadd.f32 v9, v9;
	v24 =	vmul.f32 v21, v21;
	v5 =	vmul.f32 v26, v26  }
0x24: {  	v13 =	vld [tilespmem:$0x180];
	v55 =	vadd.f32 v10, v10;
	v4 =	vmul.f32 v4, v4;
	v41 =	vmul.f32 v37, v37  }
0x25: {  	v35 =	vld [tilespmem:$0xE0];
	v56 =	vadd.f32 v12, v12;
	v43 =	vmul.f32 v40, v40;
	v6 =	vmul.f32 v6, v6  }
0x26: {  	v28 =	vadd.f32 v61, v61;
	v19 =	vld [tilespmem:$0x1E0];
	v53 =	vmul.f32 v7, v7;
	v54 =	vmul.f32 v52, v52  }
0x27: {  	v29 =	vadd.f32 v63, v63;
	v9 =	vmul.f32 v56, v56;
	v0 =	vmul.f32 v0, v0  }
0x28: {  	v21 =	vadd.f32 v57, v57;
	v1 =	vmul.f32 v1, v1;
	v2 =	vmul.f32 v2, v2  }
0x29: {  	v26 =	vadd.f32 v13, v13;
	v3 =	vmul.f32 v3, v3;
	v31 =	vmul.f32 v5, v5  }
0x2a: {  	v34 =	vmul.f32 v4, v4;
	v4 =	vadd.f32 v35, v35;
	v5 =	vmul.f32 v45, v45  }
0x2b: {  	v6 =	vmul.f32 v6, v6;
	v7 =	vmul.f32 v54, v54;
	v45 =	vadd.f32 v19, v19  }
0x2c: {  	v62 =	vmul.f32 v9, v9;
	v0 =	vadd.f32 $1.000000000e+00, v0;
	v1 =	vadd.f32 $1.000000000e+00, v1  }
0x2d: {  	v17 =	vadd.f32 $1.000000000e+00, v2;
	v20 =	vadd.f32 $1.000000000e+00, v3;
	v2 =	vmul.f32 v23, v23  }
0x2e: {  	v51 =	vld [tilespmem:$0x130];
	v3 =	vmul.f32 v25, v25;
	v36 =	vadd.f32 $1.000000000e+00, v31;
	v4 =	vmul.f32 v4, v4  }
0x2f: {  	v58 =	vld [tilespmem:$0x170];
	v39 =	vadd.f32 $1.000000000e+00, v34;
	v5 =	vmul.f32 v5, v5;
	v25 =	vmul.f32 v21, v21  }
0x30: {  	v59 =	vadd.f32 $1.000000000e+00, v7;
	v7 =	vmul.f32 v26, v26;
	(erf) = vrcp.f32 v0  }
0x31: {  	v6 =	vadd.f32 $1.000000000e+00, v6;
	v0 =	vmul.f32 v22, v22;
	v2 =	vmul.f32 v2, v2  }
0x32: {  	v35 =	vld [tilespmem:$0x1F0];
	v23 =	vadd.f32 $1.000000000e+00, v62;
	v3 =	vmul.f32 v3, v3;
	v50 =	vmul.f32 v4, v4  }
0x33: {  	v5 =	vadd.f32 $1.000000000e+00, v5;
	v4 =	vadd.f32 v51, v51;
	v7 =	vmul.f32 v7, v7  }
0x34: {  	(erf) = vrcp.f32 v1;
	v1 =	vmul.f32 v24, v24;
	v24 =	vadd.f32 v58, v58  }
0x35: {  	v31 =	vld [tilespmem:$0x1C0];
	(erf) = vrcp.f32 v17;
	v0 =	vadd.f32 $1.000000000e+00, v0;
	v30 =	vadd.f32 $1.000000000e+00, v2  }
0x36: {  	v57 =	vld [tilespmem:$0x260];
	v33 =	vadd.f32 $1.000000000e+00, v3;
	v2 =	vmul.f32 v42, v42;
	v3 =	vmul.f32 v44, v44  }
0x37: {  	v47 =	vadd.f32 v35, v35;
	v4 =	vmul.f32 v4, v4;
	(erf) = vrcp.f32 v20  }
0x38: {  	v22 =	vld [tilespmem:$0x1B0];
	v11 =	vadd.f32 $1.000000000e+00, v50;
	v27 =	vmul.f32 v24, v24;
	(erf) = vrcp.f32 v0  }
0x39: {  	v1 =	vadd.f32 $1.000000000e+00, v1;
	v0 =	vmul.f32 v41, v41;
	v2 =	vmul.f32 v2, v2  }
0x3a: {  	v32 =	vld [tilespmem:$0x1D0];
	v40 =	vadd.f32 v31, v31;
	v48 =	vmul.f32 v3, v3;
	v4 =	vmul.f32 v4, v4  }
0x3b: {  	v31 =	vadd.f32 v57, v57;
	(erf) = vrcp.f32 v1;
	v1 =	vmul.f32 v43, v43  }
0x3c: {  	v44 =	vmul.f32 v40, v40;
	(erf) = vrcp.f32 v30;
	v0 =	vadd.f32 $1.000000000e+00, v0  }
0x3d: {  	v30 =	vadd.f32 v22, v22;
	(erf) = vrcp.f32 v33;
	v1 =	vadd.f32 $1.000000000e+00, v1  }
0x3e: {  	v41 =	vld [tilespmem:$0x210];
	v33 =	vadd.f32 $1.000000000e+00, v7;
	v7 =	vmul.f32 v45, v45;
	(erf) = vrcp.f32 v36  }
0x3f: {  	v51 =	vld [tilespmem:$0x230];
	v43 =	vadd.f32 v32, v32;
	v9 =	vmul.f32 v30, v30;
	(erf) = vrcp.f32 v39  }
0x40: {  	v49 =	vadd.f32 $1.000000000e+00, v2;
	v7 =	vmul.f32 v7, v7;
	(erf) = vrcp.f32 v0  }
0x41: {  	v38 =	vld [tilespmem:$0x200];
	v8 =	vadd.f32 $1.000000000e+00, v48;
	v46 =	vmul.f32 v43, v43;
	v3 =	vpop (erf);
	(erf) = vrcp.f32 v1  }
0x42: {  	v37 =	vmul.f32 v9, v9;
	v1 =	vpop (erf);
	v52 =	vadd.f32 $1.000000000e+00, v7;
	(erf) = vrcp.f32 v49  }
0x43: {  	v7 =	vmul.f32 v31, v31;
	v49 =	vadd.f32 v41, v41;
	(erf) = vrcp.f32 v8  }
0x44: {  	v62 =	vadd.f32 v51, v51;
	v2 =	vpop (erf);
	v8 =	vmul.f32 v55, v55;
	(erf) = vrcp.f32 v11  }
0x45: {  	v4 =	vadd.f32 $1.000000000e+00, v4;
	v0 =	vpop (erf);
	v9 =	vmul.f32 v49, v49;
	(erf) = vrcp.f32 v5  }
0x46: {  	v48 =	vadd.f32 v38, v38;
	v5 =	vmul.f32 v53, v53;
	v60 =	vmul.f32 v8, v8  }
0x47: {  	v50 =	vld [tilespmem:$0x220];
	v42 =	vadd.f32 $1.000000000e+00, v37;
	v12 =	vpop (erf);
	v8 =	vmul.f32 v29, v29;
	(erf) = vrcp.f32 v6  }
0x48: {  	v6 =	vmul.f32 v25, v25;
	v56 =	vmul.f32 v9, v9;
	v5 =	vadd.f32 $1.000000000e+00, v5  }
0x49: {  	v25 =	vld [tilespmem:$0x240];
	v20 =	vadd.f32 $1.000000000e+00, v60;
	v34 =	vmul.f32 v8, v8;
	v8 =	vmul.f32 v48, v48  }
0x4a: {  	v14 =	vpop (erf);
	v60 =	vld [tilespmem:$0x270];
	v6 =	vadd.f32 $1.000000000e+00, v6;
	(erf) = vrcp.f32 v5;
	v5 =	vmul.f32 v28, v28  }
0x4b: {  	v15 =	vpop (erf);
	v61 =	vadd.f32 $1.000000000e+00, v56;
	v53 =	vmul.f32 v8, v8;
	(erf) = vrcp.f32 v59  }
0x4c: {  	v16 =	vpop (erf);
	v48 =	vld [tilespmem:$0x2D0];
	v39 =	vadd.f32 $1.000000000e+00, v34;
	v59 =	vadd.f32 v50, v50;
	(erf) = vrcp.f32 v4  }
0x4d: {  	v17 =	vpop (erf);
	v4 =	vmul.f32 v27, v27;
	v5 =	vmul.f32 v5, v5;
	v58 =	vadd.f32 $1.000000000e+00, v53  }
0x4e: {  	v54 =	vld [tilespmem:$0x250];
	v11 =	vpop (erf);
	v19 =	vadd.f32 v25, v25;
	v25 =	vmul.f32 v62, v62;
	(erf) = vrcp.f32 v20  }
0x4f: {  	v34 =	vld [tilespmem:$0x290];
	v63 =	vmul.f32 v59, v59;
	v32 =	vadd.f32 v60, v60;
	(erf) = vrcp.f32 v23  }
0x50: {  	v36 =	vadd.f32 $1.000000000e+00, v5;
	v5 =	vmul.f32 v47, v47;
	v30 =	vmul.f32 v19, v19  }
0x51: {  	[tilespmem:$0x430] =	vst v0;
	v18 =	vpop (erf);
	v9 =	vadd.f32 v48, v48;
	v0 =	vmul.f32 v25, v25;
	(erf) = vrcp.f32 v6  }
0x52: {  	v53 =	vld [tilespmem:$0x2E0];
	v4 =	vadd.f32 $1.000000000e+00, v4;
	v6 =	vmul.f32 v44, v44;
	v29 =	vmul.f32 v63, v63  }
0x53: {  	v28 =	vadd.f32 v54, v54;
	v20 =	vpop (erf);
	v8 =	vmul.f32 v32, v32;
	v9 =	vmul.f32 v9, v9  }
0x54: {  	v40 =	vld [tilespmem:$0x2B0];
	[tilespmem:$0x400] =	vst v3;
	v21 =	vpop (erf);
	v10 =	vadd.f32 v34, v34;
	(erf) = vrcp.f32 v4;
	v4 =	vmul.f32 v46, v46  }
0x55: {  	[tilespmem:$0x410] =	vst v1;
	v22 =	vpop (erf);
	v44 =	vld [tilespmem:$0x2C0];
	v5 =	vmul.f32 v5, v5;
	v0 =	vadd.f32 $1.000000000e+00, v0;
	(erf) = vrcp.f32 v33  }
0x56: {  	[tilespmem:$0x420] =	vst v2;
	v54 =	vld [tilespmem:$0x2F0];
	v6 =	vadd.f32 $1.000000000e+00, v6;
	v43 =	vmul.f32 v8, v8;
	v51 =	vmul.f32 v10, v10  }
0x57: {  	v63 =	vld [tilespmem:$0x320];
	v23 =	vpop (erf);
	[tilespmem:$0x4D0] =	vst v22;
	v62 =	vmul.f32 v9, v9;
	v22 =	vadd.f32 v53, v53;
	v4 =	vadd.f32 $1.000000000e+00, v4  }
0x58: {  	[tilespmem:$0x440] =	vst v12;
	v13 =	vpop (erf);
	v33 =	vld [tilespmem:$0x280];
	(erf) = vrcp.f32 v36;
	v55 =	vadd.f32 $1.000000000e+00, v5;
	v5 =	vadd.f32 $1.000000000e+00, v29  }
0x59: {  	[tilespmem:$0x450] =	vst v14;
	v56 =	vld [tilespmem:$0x300];
	v24 =	vpop (erf);
	(erf) = vrcp.f32 v39;
	v39 =	vmul.f32 v7, v7;
	v7 =	vadd.f32 v40, v40  }
0x5a: {  	[tilespmem:$0x4E0] =	vst v23;
	v23 =	vld [tilespmem:$0x330];
	v26 =	vpop (erf);
	v25 =	vadd.f32 $1.000000000e+00, v62;
	(erf) = vrcp.f32 v42;
	v8 =	vadd.f32 v44, v44  }
0x5b: {  	[tilespmem:$0x510] =	vst v26;
	v26 =	vadd.f32 v54, v54;
	(erf) = vrcp.f32 v6;
	v6 =	vmul.f32 v30, v30  }
0x5c: {  	[tilespmem:$0x460] =	vst v15;
	v36 =	vld [tilespmem:$0x2A0];
	v9 =	vadd.f32 v63, v63;
	v7 =	vmul.f32 v7, v7;
	(erf) = vrcp.f32 v4  }
0x5d: {  	[tilespmem:$0x470] =	vst v16;
	v4 =	vmul.f32 v28, v28;
	v47 =	vadd.f32 v33, v33;
	v8 =	vmul.f32 v8, v8  }
0x5e: {  	[tilespmem:$0x480] =	vst v17;
	v59 =	vld [tilespmem:$0x310];
	v28 =	vadd.f32 v56, v56;
	v29 =	vmul.f32 v26, v26;
	v9 =	vmul.f32 v9, v9  }
0x5f: {  	[tilespmem:$0x490] =	vst v11;
	v27 =	vpop (erf);
	v63 =	vld [tilespmem:$0x3B0];
	v32 =	vadd.f32 v23, v23;
	(erf) = vrcp.f32 v52;
	v7 =	vmul.f32 v7, v7  }
0x60: {  	[tilespmem:$0x4A0] =	vst v18;
	v3 =	vpop (erf);
	v38 =	vadd.f32 $1.000000000e+00, v6;
	(erf) = vrcp.f32 v55;
	v4 =	vmul.f32 v4, v4  }
0x61: {  	[tilespmem:$0x4B0] =	vst v20;
	v14 =	vadd.f32 v36, v36;
	v6 =	vmul.f32 v47, v47;
	v8 =	vmul.f32 v8, v8  }
0x62: {  	[tilespmem:$0x4C0] =	vst v21;
	v46 =	vadd.f32 $1.000000000e+00, v39;
	v31 =	vmul.f32 v28, v28;
	v11 =	vmul.f32 v32, v32  }
0x63: {  	[tilespmem:$0x4F0] =	vst v13;
	v13 =	vld [tilespmem:$0x3C0];
	v30 =	vadd.f32 v59, v59;
	v1 =	vpop (erf);
	(erf) = vrcp.f32 v58;
	v52 =	vmul.f32 v14, v14  }
0x64: {  	[tilespmem:$0x500] =	vst v24;
	v2 =	vpop (erf);
	v28 =	vadd.f32 v63, v63;
	(erf) = vrcp.f32 v61;
	v42 =	vadd.f32 $1.000000000e+00, v4  }
0x65: {  	[tilespmem:$0x520] =	vst v27;
	v35 =	vpop (erf);
	v6 =	vmul.f32 v6, v6;
	v21 =	vadd.f32 $1.000000000e+00, v8;
	v8 =	vmul.f32 v22, v22  }
0x66: {  	v36 =	vld [tilespmem:$0x350];
	v37 =	vpop (erf);
	[tilespmem:$0x560] =	vst v35;
	v61 =	vadd.f32 $1.000000000e+00, v7;
	v7 =	vmul.f32 v30, v30;
	v35 =	vmul.f32 v31, v31  }
0x67: {  	[tilespmem:$0x530] =	vst v3;
	v33 =	vld [tilespmem:$0x340];
	v41 =	vpop (erf);
	v4 =	vadd.f32 $1.000000000e+00, v43;
	(erf) = vrcp.f32 v5;
	v10 =	vmul.f32 v52, v52  }
0x68: {  	v31 =	vadd.f32 v13, v13;
	[tilespmem:$0x580] =	vst v41;
	v41 =	vmul.f32 v9, v9;
	v32 =	vmul.f32 v28, v28  }
0x69: {  	v17 =	vld [tilespmem:$0x3D0];
	[tilespmem:$0x540] =	vst v1;
	v45 =	vpop (erf);
	(erf) = vrcp.f32 v0;
	v6 =	vadd.f32 $1.000000000e+00, v6;
	v8 =	vmul.f32 v8, v8  }
0x6a: {  	[tilespmem:$0x550] =	vst v2;
	v49 =	vpop (erf);
	v7 =	vmul.f32 v7, v7;
	v40 =	vadd.f32 $1.000000000e+00, v35;
	(erf) = vrcp.f32 v38  }
0x6b: {  	[tilespmem:$0x590] =	vst v45;
	v45 =	vmul.f32 v11, v11;
	v53 =	vadd.f32 v36, v36;
	v50 =	vpop (erf);
	v38 =	vld [tilespmem:$0x360];
	(erf) = vrcp.f32 v42  }
0x6c: {  	v62 =	vld [tilespmem:$0x3A0];
	v35 =	vmul.f32 v31, v31;
	[tilespmem:$0x5A0] =	vst v49;
	v49 =	vadd.f32 v33, v33;
	v55 =	vpop (erf);
	(erf) = vrcp.f32 v46  }
0x6d: {  	[tilespmem:$0x570] =	vst v37;
	v58 =	vadd.f32 $1.000000000e+00, v10;
	v57 =	vpop (erf);
	v46 =	vld [tilespmem:$0x380];
	(erf) = vrcp.f32 v4;
	v4 =	vmul.f32 v51, v51  }
0x6e: {  	v33 =	vadd.f32 v17, v17;
	v34 =	vadd.f32 $1.000000000e+00, v8;
	[tilespmem:$0x5C0] =	vst v55;
	v55 =	vmul.f32 v49, v49;
	v60 =	vpop (erf)  }
0x6f: {  	v42 =	vld [tilespmem:$0x370];
	[tilespmem:$0x5D0] =	vst v57;
	v57 =	vmul.f32 v53, v53;
	(erf) = vrcp.f32 v6;
	v20 =	vpop (erf);
	v4 =	vadd.f32 $1.000000000e+00, v4  }
0x70: {  	[tilespmem:$0x5B0] =	vst v50;
	v50 =	vld [tilespmem:$0x390];
	v2 =	vmul.f32 v55, v55;
	v24 =	vpop (erf);
	v56 =	vadd.f32 v38, v38;
	v38 =	vmul.f32 v32, v32  }
0x71: {  	[tilespmem:$0x600] =	vst v24;
	v24 =	vadd.f32 v62, v62;
	(erf) = vrcp.f32 v4;
	v4 =	vmul.f32 v29, v29  }
0x72: {  	[tilespmem:$0x5E0] =	vst v60;
	v27 =	vpop (erf);
	v59 =	vmul.f32 v56, v56;
	v60 =	vadd.f32 v46, v46;
	(erf) = vrcp.f32 v58  }
0x73: {  	v44 =	vadd.f32 $1.000000000e+00, v7;
	[tilespmem:$0x5F0] =	vst v20;
	v37 =	vpop (erf);
	v30 =	vmul.f32 v24, v24;
	(erf) = vrcp.f32 v61  }
0x74: {  	[tilespmem:$0x610] =	vst v27;
	v39 =	vpop (erf);
	v58 =	vadd.f32 v42, v42;
	v5 =	vmul.f32 v59, v59;
	v7 =	vmul.f32 v60, v60  }
0x75: {  	[tilespmem:$0x630] =	vst v39;
	v61 =	vadd.f32 v50, v50;
	v39 =	vmul.f32 v33, v33;
	(erf) = vrcp.f32 v21  }
0x76: {  	[tilespmem:$0x620] =	vst v37;
	v4 =	vadd.f32 $1.000000000e+00, v4;
	v43 =	vpop (erf);
	v6 =	vmul.f32 v58, v58;
	(erf) = vrcp.f32 v25  }
0x77: {  	v47 =	vpop (erf);
	[tilespmem:$0x640] =	vst v43;
	v8 =	vmul.f32 v61, v61;
	(erf) = vrcp.f32 v34  }
0x78: {  	v51 =	vpop (erf);
	[tilespmem:$0x650] =	vst v47;
	v16 =	vmul.f32 v7, v7;
	(erf) = vrcp.f32 v4  }
0x79: {  	v48 =	vadd.f32 $1.000000000e+00, v41;
	v21 =	vld [tilespmem:$0x3E0];
	v3 =	vmul.f32 v39, v39;
	v54 =	vpop (erf);
	[tilespmem:$0x660] =	vst v51;
	(erf) = vrcp.f32 v40  }
0x7a: {  	v52 =	vadd.f32 $1.000000000e+00, v45;
	v4 =	vmul.f32 v57, v57;
	v12 =	vpop (erf);
	[tilespmem:$0x670] =	vst v54;
	(erf) = vrcp.f32 v44  }
0x7b: {  	v2 =	vadd.f32 $1.000000000e+00, v2;
	v25 =	vld [tilespmem:$0x3F0];
	v6 =	vmul.f32 v6, v6;
	[tilespmem:$0x680] =	vst v12;
	(erf) = vrcp.f32 v48;
	v14 =	vpop (erf)  }
0x7c: {  	v34 =	vmul.f32 v30, v30;
	v4 =	vadd.f32 $1.000000000e+00, v4;
	(erf) = vrcp.f32 v52;
	v18 =	vpop (erf);
	[tilespmem:$0x690] =	vst v14  }
0x7d: {  	v15 =	vadd.f32 $1.000000000e+00, v5;
	v20 =	vmul.f32 v8, v8;
	(erf) = vrcp.f32 v2;
	v22 =	vpop (erf);
	[tilespmem:$0x6A0] =	vst v18  }
0x7e: {  	v19 =	vadd.f32 $1.000000000e+00, v6;
	v36 =	vadd.f32 v21, v21;
	(erf) = vrcp.f32 v4;
	v26 =	vpop (erf);
	[tilespmem:$0x6B0] =	vst v22  }
0x7f: {  	v23 =	vadd.f32 $1.000000000e+00, v16;
	v27 =	vadd.f32 $1.000000000e+00, v20;
	(erf) = vrcp.f32 v15;
	v29 =	vpop (erf);
	[tilespmem:$0x6C0] =	vst v26  }
0x80: {  	v40 =	vadd.f32 v25, v25;
	v5 =	vmul.f32 v36, v36;
	(erf) = vrcp.f32 v19;
	v37 =	vpop (erf);
	[tilespmem:$0x6D0] =	vst v29  }
0x81: {  	v1 =	vadd.f32 $1.000000000e+00, v34;
	v2 =	vmul.f32 v35, v35;
	(erf) = vrcp.f32 v23;
	v41 =	vpop (erf);
	[tilespmem:$0x6E0] =	vst v37  }
0x82: {  	v0 =	vadd.f32 $1.000000000e+00, v38;
	v4 =	vmul.f32 v40, v40;
	(erf) = vrcp.f32 v27;
	v42 =	vpop (erf);
	[tilespmem:$0x6F0] =	vst v41  }
0x83: {  	v45 =	vmul.f32 v5, v5;
	v44 =	vadd.f32 $1.000000000e+00, v2;
	[tilespmem:$0x700] =	vst v42;
	v43 =	vpop (erf);
	(erf) = vrcp.f32 v1  }
0x84: {  	v47 =	vadd.f32 $1.000000000e+00, v3;
	v48 =	vmul.f32 v4, v4;
	[tilespmem:$0x710] =	vst v43;
	v46 =	vpop (erf);
	(erf) = vrcp.f32 v0  }
0x85: {  	v50 =	vadd.f32 $1.000000000e+00, v45;
	[tilespmem:$0x720] =	vst v46;
	v49 =	vpop (erf);
	(erf) = vrcp.f32 v44  }
0x86: {  	v52 =	vadd.f32 $1.000000000e+00, v48;
	[tilespmem:$0x730] =	vst v49;
	v51 =	vpop (erf);
	(erf) = vrcp.f32 v47  }
0x87: {  	[tilespmem:$0x740] =	vst v51;
	v53 =	vpop (erf);
	(erf) = vrcp.f32 v50  }
0x88: {  	[tilespmem:$0x750] =	vst v53;
	v54 =	vpop (erf);
	(erf) = vrcp.f32 v52  }
0x89: {  	v55 =	vpop (erf);
	[tilespmem:$0x760] =	vst v54  }
0x8a: {  	v56 =	vpop (erf);
	[tilespmem:$0x770] =	vst v55  }
0x8b: {  	v57 =	vpop (erf);
	[tilespmem:$0x780] =	vst v56  }
0x8c: {  	v58 =	vpop (erf);
	[tilespmem:$0x790] =	vst v57  }
0x8d: {  	v59 =	vpop (erf);
	[tilespmem:$0x7A0] =	vst v58  }
0x8e: {  	v60 =	vpop (erf);
	[tilespmem:$0x7B0] =	vst v59  }
0x8f: {  	v61 =	vpop (erf);
	[tilespmem:$0x7C0] =	vst v60  }
0x90: {  	v62 =	vpop (erf);
	[tilespmem:$0x7D0] =	vst v61  }
0x91: {  	p0 =	sne.s32 s5, $0x1;
	[tilespmem:$0x7E0] =	vst v62;
	v63 =	vpop (erf)  }
.Ltmp0:
0x92: {  	[tilespmem:$0x7F0] =	vst v63;
	(pc) =	sbr.rel @p0 .LBB2_1-.Ltmp0, $4  }
0x93: {  	[hbm4b:s4+s2] =	stream.linear.scatter [tilespmem:s7], [sflag:$0x1], $0x400, $0x38;
	[tilespmem:$0x800] =	vst v63  }
0x94: {  	_ =	swait.ge [sflag:s6], $0x400  }
0x95: {  	[sflag:s6] =	ssyncset.done $0x0  }
0x96: {  	s5 =	sadd.s32 $0xFFFFFFFF, s5;
	[sflag:s6] =	ssyncadd.s32 $0xFFFFFC00  }
0x97: {  	_ =	sfence.sel $0x180000  }
0x98: {  	[bflag:$0x0] =	sbarrier.arrive $0xFFFF  }
0x99: {  	p0 =	sne.s32 s1, $0x0;
	_ =	strace $0x90000047  }
0x9a: {  	s0 =	sadd.s32 @!p0 $0x100000, s0;
	[bflag:$0x2] =	sbarrier.arrive $0xFFFF  }
0x9b: {  	[sflag:s0] =	ssyncadd.tile.s32 @!p0 $0x1;
	_ =	shalt  }
.Lfunc_end2:
_tile_overlayer_lowered:
.L_overlay_start_2:
0x9c: {  	(tag) =	ssettag $0x2  }
0x9d: {  	s0 =	rddreg [dreg:$0x0];
	s2 =	stileid.u32  }
0x9e: {  	s1 =	rddreg [dreg:$0x1];
	p0 =	sne.s32 s2, $0x0  }
0x9f: {  	s3 =	rddreg [dreg:$0x2];
	[bflag:$0x3] =	sbarrier.arrive $0xFFFF;
	s2 =	simm.s32 @!p0 $0x1C01  }
0xa0: {  	[timem:s3], [sflag:s2] =	dma.local @!p0 [hbm:s0], s1  }
0xa1: {  	s0 =	simm.s32 @!p0 $0x1  }
0xa2: {  	_ =	swait.ge @!p0 [sflag:s0], s1  }
0xa3: {  	s1 =	ssub.s32 @!p0 $0x0, s1;
	[sflag:s0] =	ssyncset.done @!p0 $0x0  }
0xa4: {  	[sflag:s0] =	ssyncadd.s32 @!p0 s1  }
0xa5: {  	[bflag:$0x3] =	sbarrier.arrive $0xFFFF  }
0xa6: {  	_ =	shalt  }

</sc_bundles>
